<compile_context>
chip_gen: v7x
topology: tpu7x:2x2x1
jax: 0.10.2.dev20260603
libtpu: 0.0.44.dev20260713+nightly
codegen_flags: <defaults>
</compile_context>

<pallas_src>
import functools

import jax
import jax.numpy as jnp
from jax import lax
from jax.experimental import pallas as pl
from jax.experimental.pallas import tpu as pltpu
from jax.experimental.pallas import tpu_sc as plsc

L = 16
D = 64
C = 200
CP = 208
CA, CB = 128, 72
NG = CP // L
NK = D // L


def _take(v, idx):
  return lax.gather(
      v, idx[:, None],
      dimension_numbers=lax.GatherDimensionNumbers(
          offset_dims=(), collapsed_slice_dims=(0,), start_index_map=(0,)),
      slice_sizes=(1,),
      mode=lax.GatherScatterMode.PROMISE_IN_BOUNDS)


def _build_sc_call(B, V, RV):
  mesh = plsc.VectorSubcoreMesh(core_axis_name="c", subcore_axis_name="s")
  nc, ns = mesh.num_cores, mesh.num_subcores
  nw = nc * ns
  ipw = B // nw

  @functools.partial(
      pl.kernel,
      mesh=mesh,
      out_type=jax.ShapeDtypeStruct((B, C), jnp.float32),
      compiler_params=pltpu.CompilerParams(
          needs_layout_passes=False, use_tc_tiling_on_sc=False),
      scratch_types=[
          pltpu.VMEM((ipw,), jnp.int32),
          pltpu.VMEM((ipw,), jnp.int32),
          pltpu.VMEM((ipw, C), jnp.int32),
          pltpu.VMEM((ipw, D), jnp.float32),
          pltpu.VMEM((ipw, D), jnp.float32),
          pltpu.VMEM((CP, D), jnp.float32),
          pltpu.VMEM((CP, D), jnp.float32),
          pltpu.VMEM((ipw, CP), jnp.float32),
          pltpu.SemaphoreType.DMA,
          pltpu.SemaphoreType.DMA,
          pltpu.SemaphoreType.DMA,
          pltpu.SemaphoreType.DMA,
          pltpu.SemaphoreType.DMA,
      ],
  )
  def sc_call(ent_hbm, rel_hbm, s_hbm, r_hbm, cand_hbm, out_hbm,
              sidx_v, ridx_v, cidx_v, q_v, rrow_v, buf0, buf1,
              sco_v, semq, sa0, sb0, sa1, sb1):
    wid = lax.axis_index("s") * nc + lax.axis_index("c")
    base = wid * ipw

    pltpu.sync_copy(s_hbm.at[pl.ds(base, ipw)], sidx_v)
    pltpu.sync_copy(r_hbm.at[pl.ds(base, ipw)], ridx_v)
    pltpu.sync_copy(cand_hbm.at[pl.ds(base, ipw)], cidx_v)

    pltpu.async_copy(ent_hbm.at[sidx_v], q_v, semq).wait()
    pltpu.async_copy(rel_hbm.at[ridx_v], rrow_v, semq).wait()

    @pl.loop(0, ipw)
    def _(i):
      for k in range(NK):
        sl = pl.ds(k * L, L)
        q_v[i, sl] = q_v[i, sl] * rrow_v[i, sl]

    def descs(i, buf, sa, sb):
      da = pltpu.make_async_copy(
          ent_hbm.at[cidx_v.at[i, pl.ds(0, CA)]], buf.at[pl.ds(0, CA)], sa)
      db = pltpu.make_async_copy(
          ent_hbm.at[cidx_v.at[i, pl.ds(CA, CB)]], buf.at[pl.ds(CA, CB)], sb)
      return da, db

    lane = lax.iota(jnp.int32, L)
    xors = [lane ^ (1 << lv) for lv in range(4)]
    picks = [(lane & (1 << lv)) != 0 for lv in range(4)]

    def compute(i, buf):
      q = [q_v[i, pl.ds(k * L, L)] for k in range(NK)]

      @pl.loop(0, NG)
      def _(g):
        row0 = g * L
        ps = []
        for c in range(L):
          r = row0 + c
          p = buf[r, pl.ds(0, L)] * q[0]
          for k in range(1, NK):
            p = p + buf[r, pl.ds(k * L, L)] * q[k]
          ps.append(p)
        for lv in range(4):
          stride_summed = [v + _take(v, xors[lv]) for v in ps]
          ps = [
              jnp.where(picks[lv], stride_summed[2 * k + 1],
                        stride_summed[2 * k])
              for k in range(len(ps) // 2)
          ]
        sco_v[i, pl.ds(row0, L)] = ps[0]

    d0a, d0b = descs(0, buf0, sa0, sb0)
    d0a.start()
    d0b.start()

    @pl.loop(0, ipw // 2)
    def _(t):
      i0 = t * 2
      i1 = i0 + 1
      n1a, n1b = descs(i1, buf1, sa1, sb1)
      n1a.start()
      n1b.start()
      w0a, w0b = descs(i0, buf0, sa0, sb0)
      w0a.wait()
      w0b.wait()
      compute(i0, buf0)

      @pl.when(i1 + 1 < ipw)
      def _():
        n0a, n0b = descs(i1 + 1, buf0, sa0, sb0)
        n0a.start()
        n0b.start()

      w1a, w1b = descs(i1, buf1, sa1, sb1)
      w1a.wait()
      w1b.wait()
      compute(i1, buf1)

    pltpu.sync_copy(sco_v.at[:, pl.ds(0, C)], out_hbm.at[pl.ds(base, ipw)])

  return sc_call


def kernel(s, nbrs_s, r, candidates, nbrs_candidates, labels, entities_emb,
           relations_emb):
  B = candidates.shape[0]
  V = entities_emb.shape[0]
  RV = relations_emb.shape[0]
  return _build_sc_call(B, V, RV)(
      entities_emb, relations_emb, s.astype(jnp.int32), r.astype(jnp.int32),
      candidates.astype(jnp.int32))

# --- scband reference (transcript-rebuilt; emitter-appended) ---
"""Pipeline reference for scband-dist-mult-83794811945667 (READ-ONLY COPY).

The authoritative reference and input builder live on the scoring server;
editing this copy changes nothing except your own understanding.
"""

import jax, jax.numpy as jnp
import numpy as np

ENT_VOCAB = 1000000
REL_VOCAB = 1000
DIM = 64
B = 4096
C = 200

def setup_inputs(seed: int = 0) -> dict:
    key = jax.random.key(seed)
    k_s, k_nbrs, k_r, k_cand, k_ncand, k_lab, k_ee, k_re = jax.random.split(key, 8)
    s = jax.random.randint(k_s, (B,), 0, ENT_VOCAB, dtype=jnp.int64) if jax.config.jax_enable_x64 else jax.random.randint(k_s, (B,), 0, ENT_VOCAB).astype(jnp.int32)
    nbrs_s = jax.random.randint(k_nbrs, (B, 20), 0, ENT_VOCAB).astype(jnp.int32)
    r = jax.random.randint(k_r, (B,), 0, REL_VOCAB).astype(jnp.int32)
    candidates = jax.random.randint(k_cand, (B, C), 0, ENT_VOCAB).astype(jnp.int32)
    nbrs_candidates = jax.random.randint(k_ncand, (B, 20), 0, ENT_VOCAB).astype(jnp.int32)
    labels = jax.random.randint(k_lab, (B,), 0, C).astype(jnp.int32)
    # learned params: padding row appended (entity_count+1, relation_count+1)
    entities_emb = jax.random.normal(k_ee, (ENT_VOCAB + 1, DIM), dtype=jnp.float32) * 0.05
    relations_emb = jax.random.normal(k_re, (REL_VOCAB + 1, DIM), dtype=jnp.float32) * 0.05
    # padding_idx rows are zero in torch nn.Embedding
    entities_emb = entities_emb.at[ENT_VOCAB].set(0.0)
    relations_emb = relations_emb.at[REL_VOCAB].set(0.0)
    s = s.astype(jnp.int32)
    return {"s": s, "nbrs_s": nbrs_s, "r": r, "candidates": candidates,
            "nbrs_candidates": nbrs_candidates, "labels": labels,
            "entities_emb": entities_emb, "relations_emb": relations_emb}

def reference(s, nbrs_s, r, candidates, nbrs_candidates, labels, entities_emb, relations_emb):
    # DistMult forward with is_train=False (returns scores only).
    source_emb = jnp.take(entities_emb, s, axis=0)              # [B, D]
    relation_emb = jnp.take(relations_emb, r, axis=0)           # [B, D]
    candidates_emb = jnp.take(entities_emb, candidates, axis=0) # [B, C, D]
    source_dot_query = source_emb * relation_emb                # [B, D]
    scores = jnp.squeeze(
        jnp.matmul(source_dot_query[:, None, :], jnp.swapaxes(candidates_emb, 1, 2)),
        axis=1,
    )                                                           # [B, C]
    return scores

if __name__ == "__main__":
    import jax
    _d = setup_inputs()
    print(jax.jit(kernel)(*tuple(_d.values())))

</pallas_src>

<mosaic_0001>
#map = affine_map<(d0, d1) -> (0, 0)>
#map1 = affine_map<(d0, d1) -> (0)>
module attributes {stable_mosaic.version = 14 : i64} {
  func.func @sc_call(%arg0: i32, %arg1: i32, %arg2: memref<1000001x64xf32, #tpu.memory_space<hbm>>, %arg3: memref<1001x64xf32, #tpu.memory_space<hbm>>, %arg4: memref<4096xi32, #tpu.memory_space<hbm>>, %arg5: memref<4096xi32, #tpu.memory_space<hbm>>, %arg6: memref<4096x200xi32, #tpu.memory_space<hbm>>, %arg7: memref<4096x200xf32, #tpu.memory_space<hbm>>, %arg8: memref<128xi32, #tpu.memory_space<vmem>>, %arg9: memref<128xi32, #tpu.memory_space<vmem>>, %arg10: memref<128x200xi32, #tpu.memory_space<vmem>>, %arg11: memref<128x64xf32, #tpu.memory_space<vmem>>, %arg12: memref<128x64xf32, #tpu.memory_space<vmem>>, %arg13: memref<208x64xf32, #tpu.memory_space<vmem>>, %arg14: memref<208x64xf32, #tpu.memory_space<vmem>>, %arg15: memref<128x208xf32, #tpu.memory_space<vmem>>, %arg16: memref<!tpu.dma_semaphore, #tpu.memory_space<semaphore_mem>>, %arg17: memref<!tpu.dma_semaphore, #tpu.memory_space<semaphore_mem>>, %arg18: memref<!tpu.dma_semaphore, #tpu.memory_space<semaphore_mem>>, %arg19: memref<!tpu.dma_semaphore, #tpu.memory_space<semaphore_mem>>, %arg20: memref<!tpu.dma_semaphore, #tpu.memory_space<semaphore_mem>>) attributes {dimension_semantics = [#tpu.dimension_semantics<core_parallel>, #tpu.dimension_semantics<subcore_parallel>], iteration_bounds = array<i64: 2, 16>, scalar_prefetch = 0 : i64, scratch_operands = 13 : i64, tpu.core_type = #tpu.core_type<sc_vector_subcore>, window_params = [{transform_indices = #map}, {transform_indices = #map}, {transform_indices = #map1}, {transform_indices = #map1}, {transform_indices = #map}, {transform_indices = #map}]} {
    %mul3A = arith.constant 2 : i32
    %mul3A_0 = arith.muli %arg1, %mul3A : i32
    %add3A = arith.addi %mul3A_0, %arg0 : i32
    %mul3A_1 = arith.constant 128 : i32
    %mul3A_2 = arith.muli %add3A, %mul3A_1 : i32
    "tpu.region"() ({
      %run_scoped3A = tpu.sem_alloc : memref<!tpu.dma_semaphore, #tpu.memory_space<semaphore_mem>>
      %dma_start3A_75 = tpu.memref_slice %arg4[%mul3A_2] : memref<4096xi32, #tpu.memory_space<hbm>> -> memref<128xi32, #tpu.memory_space<hbm>>
      %dma_start3A_76 = tpu.memref_slice %arg4[%mul3A_2] : memref<4096xi32, #tpu.memory_space<hbm>> -> memref<128xi32, #tpu.memory_space<hbm>>
      tpu.enqueue_dma source(%dma_start3A_76 : memref<128xi32, #tpu.memory_space<hbm>>) target(%arg8 : memref<128xi32, #tpu.memory_space<vmem>>) target_semaphore(%run_scoped3A : memref<!tpu.dma_semaphore, #tpu.memory_space<semaphore_mem>>)
      %dma_wait3A_77 = tpu.memref_slice %arg4[%mul3A_2] : memref<4096xi32, #tpu.memory_space<hbm>> -> memref<128xi32, #tpu.memory_space<hbm>>
      %dma_wait3A_78 = tpu.memref_slice %arg4[%mul3A_2] : memref<4096xi32, #tpu.memory_space<hbm>> -> memref<128xi32, #tpu.memory_space<hbm>>
      tpu.wait_dma2 semaphore(%run_scoped3A : memref<!tpu.dma_semaphore, #tpu.memory_space<semaphore_mem>>) src(%dma_wait3A_78 : memref<128xi32, #tpu.memory_space<hbm>>) dst(%arg8 : memref<128xi32, #tpu.memory_space<vmem>>)
      tpu.yield
    }) : () -> ()
    "tpu.region"() ({
      %run_scoped3A = tpu.sem_alloc : memref<!tpu.dma_semaphore, #tpu.memory_space<semaphore_mem>>
      %dma_start3A_75 = tpu.memref_slice %arg5[%mul3A_2] : memref<4096xi32, #tpu.memory_space<hbm>> -> memref<128xi32, #tpu.memory_space<hbm>>
      %dma_start3A_76 = tpu.memref_slice %arg5[%mul3A_2] : memref<4096xi32, #tpu.memory_space<hbm>> -> memref<128xi32, #tpu.memory_space<hbm>>
      tpu.enqueue_dma source(%dma_start3A_76 : memref<128xi32, #tpu.memory_space<hbm>>) target(%arg9 : memref<128xi32, #tpu.memory_space<vmem>>) target_semaphore(%run_scoped3A : memref<!tpu.dma_semaphore, #tpu.memory_space<semaphore_mem>>)
      %dma_wait3A_77 = tpu.memref_slice %arg5[%mul3A_2] : memref<4096xi32, #tpu.memory_space<hbm>> -> memref<128xi32, #tpu.memory_space<hbm>>
      %dma_wait3A_78 = tpu.memref_slice %arg5[%mul3A_2] : memref<4096xi32, #tpu.memory_space<hbm>> -> memref<128xi32, #tpu.memory_space<hbm>>
      tpu.wait_dma2 semaphore(%run_scoped3A : memref<!tpu.dma_semaphore, #tpu.memory_space<semaphore_mem>>) src(%dma_wait3A_78 : memref<128xi32, #tpu.memory_space<hbm>>) dst(%arg9 : memref<128xi32, #tpu.memory_space<vmem>>)
      tpu.yield
    }) : () -> ()
    "tpu.region"() ({
      %run_scoped3A = tpu.sem_alloc : memref<!tpu.dma_semaphore, #tpu.memory_space<semaphore_mem>>
      %dma_start3A_75 = arith.constant 0 : i32
      %dma_start3A_76 = tpu.memref_slice %arg6[%mul3A_2, %dma_start3A_75] : memref<4096x200xi32, #tpu.memory_space<hbm>> -> memref<128x200xi32, #tpu.memory_space<hbm>>
      %dma_start3A_77 = arith.constant 0 : i32
      %dma_start3A_78 = tpu.memref_slice %arg6[%mul3A_2, %dma_start3A_77] : memref<4096x200xi32, #tpu.memory_space<hbm>> -> memref<128x200xi32, #tpu.memory_space<hbm>>
      tpu.enqueue_dma source(%dma_start3A_78 : memref<128x200xi32, #tpu.memory_space<hbm>>) target(%arg10 : memref<128x200xi32, #tpu.memory_space<vmem>>) target_semaphore(%run_scoped3A : memref<!tpu.dma_semaphore, #tpu.memory_space<semaphore_mem>>)
      %dma_wait3A_79 = arith.constant 0 : i32
      %dma_wait3A_80 = tpu.memref_slice %arg6[%mul3A_2, %dma_wait3A_79] : memref<4096x200xi32, #tpu.memory_space<hbm>> -> memref<128x200xi32, #tpu.memory_space<hbm>>
      %dma_wait3A_81 = arith.constant 0 : i32
      %dma_wait3A_82 = tpu.memref_slice %arg6[%mul3A_2, %dma_wait3A_81] : memref<4096x200xi32, #tpu.memory_space<hbm>> -> memref<128x200xi32, #tpu.memory_space<hbm>>
      tpu.wait_dma2 semaphore(%run_scoped3A : memref<!tpu.dma_semaphore, #tpu.memory_space<semaphore_mem>>) src(%dma_wait3A_82 : memref<128x200xi32, #tpu.memory_space<hbm>>) dst(%arg10 : memref<128x200xi32, #tpu.memory_space<vmem>>)
      tpu.yield
    }) : () -> ()
    %dma_start3A = arith.constant 0 : i32
    %dma_start3A_3 = arith.constant 0 : i32
    %dma_start3A_4 = tpu.memref_slice %arg2[%dma_start3A, %dma_start3A_3] : memref<1000001x64xf32, #tpu.memory_space<hbm>> -> memref<1000001x64xf32, #tpu.memory_space<hbm>>
    tpu.enqueue_indirect_dma source(%dma_start3A_4 : memref<1000001x64xf32, #tpu.memory_space<hbm>>) target(%arg11 : memref<128x64xf32, #tpu.memory_space<vmem>>) offsets(%arg8 : memref<128xi32, #tpu.memory_space<vmem>>) semaphore(%arg16 : memref<!tpu.dma_semaphore, #tpu.memory_space<semaphore_mem>>)
    %dma_wait3A = arith.constant 0 : i32
    %dma_wait3A_5 = arith.constant 0 : i32
    %dma_wait3A_6 = tpu.memref_slice %arg2[%dma_wait3A, %dma_wait3A_5] : memref<1000001x64xf32, #tpu.memory_space<hbm>> -> memref<1000001x64xf32, #tpu.memory_space<hbm>>
    tpu.wait_indirect_dma semaphore(%arg16 : memref<!tpu.dma_semaphore, #tpu.memory_space<semaphore_mem>>) src(%dma_wait3A_6 : memref<1000001x64xf32, #tpu.memory_space<hbm>>) dst(%arg11 : memref<128x64xf32, #tpu.memory_space<vmem>>)
    %dma_start3A_7 = arith.constant 0 : i32
    %dma_start3A_8 = arith.constant 0 : i32
    %dma_start3A_9 = tpu.memref_slice %arg3[%dma_start3A_7, %dma_start3A_8] : memref<1001x64xf32, #tpu.memory_space<hbm>> -> memref<1001x64xf32, #tpu.memory_space<hbm>>
    tpu.enqueue_indirect_dma source(%dma_start3A_9 : memref<1001x64xf32, #tpu.memory_space<hbm>>) target(%arg12 : memref<128x64xf32, #tpu.memory_space<vmem>>) offsets(%arg9 : memref<128xi32, #tpu.memory_space<vmem>>) semaphore(%arg16 : memref<!tpu.dma_semaphore, #tpu.memory_space<semaphore_mem>>)
    %dma_wait3A_10 = arith.constant 0 : i32
    %dma_wait3A_11 = arith.constant 0 : i32
    %dma_wait3A_12 = tpu.memref_slice %arg3[%dma_wait3A_10, %dma_wait3A_11] : memref<1001x64xf32, #tpu.memory_space<hbm>> -> memref<1001x64xf32, #tpu.memory_space<hbm>>
    tpu.wait_indirect_dma semaphore(%arg16 : memref<!tpu.dma_semaphore, #tpu.memory_space<semaphore_mem>>) src(%dma_wait3A_12 : memref<1001x64xf32, #tpu.memory_space<hbm>>) dst(%arg12 : memref<128x64xf32, #tpu.memory_space<vmem>>)
    %scan3A = arith.constant 0 : i32
    %scan3A_13 = arith.constant 128 : i32
    %scan3A_14 = arith.addi %scan3A, %scan3A_13 : i32
    %scan3A_15 = arith.constant 1 : i32
    scf.for %scan3A_75 = %scan3A to %scan3A_14 step %scan3A_15  : i32 {
      %mul3A_76 = arith.constant 1 : i32
      %mul3A_77 = arith.muli %scan3A_75, %mul3A_76 : i32
      %add3A_78 = arith.constant 0 : i32
      %add3A_79 = arith.addi %add3A_78, %mul3A_77 : i32
      %get3A = arith.index_cast %add3A_79 : i32 to index
      %get3A_80 = arith.constant 0 : index
      %get3A_81 = tpu.vector_load %arg11[%get3A, %get3A_80] {strides = array<i32>} : memref<128x64xf32, #tpu.memory_space<vmem>>, vector<16xf32>,
      %get3A_82 = arith.index_cast %add3A_79 : i32 to index
      %get3A_83 = arith.constant 0 : index
      %get3A_84 = tpu.vector_load %arg12[%get3A_82, %get3A_83] {strides = array<i32>} : memref<128x64xf32, #tpu.memory_space<vmem>>, vector<16xf32>,
      %mul3A_85 = arith.mulf %get3A_81, %get3A_84 : vector<16xf32>
      %swap3A = arith.index_cast %add3A_79 : i32 to index
      %swap3A_86 = arith.constant 0 : index
      %swap3A_87 = tpu.vector_load %arg11[%swap3A, %swap3A_86] {strides = array<i32>} : memref<128x64xf32, #tpu.memory_space<vmem>>, vector<16xf32>,
      tpu.vector_store %arg11[%swap3A, %swap3A_86], %mul3A_85 {strides = array<i32>} : memref<128x64xf32, #tpu.memory_space<vmem>>, vector<16xf32>,
      %get3A_88 = arith.index_cast %add3A_79 : i32 to index
      %get3A_89 = arith.constant 16 : index
      %get3A_90 = tpu.vector_load %arg11[%get3A_88, %get3A_89] {strides = array<i32>} : memref<128x64xf32, #tpu.memory_space<vmem>>, vector<16xf32>,
      %get3A_91 = arith.index_cast %add3A_79 : i32 to index
      %get3A_92 = arith.constant 16 : index
      %get3A_93 = tpu.vector_load %arg12[%get3A_91, %get3A_92] {strides = array<i32>} : memref<128x64xf32, #tpu.memory_space<vmem>>, vector<16xf32>,
      %mul3A_94 = arith.mulf %get3A_90, %get3A_93 : vector<16xf32>
      %swap3A_95 = arith.index_cast %add3A_79 : i32 to index
      %swap3A_96 = arith.constant 16 : index
      %swap3A_97 = tpu.vector_load %arg11[%swap3A_95, %swap3A_96] {strides = array<i32>} : memref<128x64xf32, #tpu.memory_space<vmem>>, vector<16xf32>,
      tpu.vector_store %arg11[%swap3A_95, %swap3A_96], %mul3A_94 {strides = array<i32>} : memref<128x64xf32, #tpu.memory_space<vmem>>, vector<16xf32>,
      %get3A_98 = arith.index_cast %add3A_79 : i32 to index
      %get3A_99 = arith.constant 32 : index
      %get3A_100 = tpu.vector_load %arg11[%get3A_98, %get3A_99] {strides = array<i32>} : memref<128x64xf32, #tpu.memory_space<vmem>>, vector<16xf32>,
      %get3A_101 = arith.index_cast %add3A_79 : i32 to index
      %get3A_102 = arith.constant 32 : index
      %get3A_103 = tpu.vector_load %arg12[%get3A_101, %get3A_102] {strides = array<i32>} : memref<128x64xf32, #tpu.memory_space<vmem>>, vector<16xf32>,
      %mul3A_104 = arith.mulf %get3A_100, %get3A_103 : vector<16xf32>
      %swap3A_105 = arith.index_cast %add3A_79 : i32 to index
      %swap3A_106 = arith.constant 32 : index
      %swap3A_107 = tpu.vector_load %arg11[%swap3A_105, %swap3A_106] {strides = array<i32>} : memref<128x64xf32, #tpu.memory_space<vmem>>, vector<16xf32>,
      tpu.vector_store %arg11[%swap3A_105, %swap3A_106], %mul3A_104 {strides = array<i32>} : memref<128x64xf32, #tpu.memory_space<vmem>>, vector<16xf32>,
      %get3A_108 = arith.index_cast %add3A_79 : i32 to index
      %get3A_109 = arith.constant 48 : index
      %get3A_110 = tpu.vector_load %arg11[%get3A_108, %get3A_109] {strides = array<i32>} : memref<128x64xf32, #tpu.memory_space<vmem>>, vector<16xf32>,
      %get3A_111 = arith.index_cast %add3A_79 : i32 to index
      %get3A_112 = arith.constant 48 : index
      %get3A_113 = tpu.vector_load %arg12[%get3A_111, %get3A_112] {strides = array<i32>} : memref<128x64xf32, #tpu.memory_space<vmem>>, vector<16xf32>,
      %mul3A_114 = arith.mulf %get3A_110, %get3A_113 : vector<16xf32>
      %swap3A_115 = arith.index_cast %add3A_79 : i32 to index
      %swap3A_116 = arith.constant 48 : index
      %swap3A_117 = tpu.vector_load %arg11[%swap3A_115, %swap3A_116] {strides = array<i32>} : memref<128x64xf32, #tpu.memory_space<vmem>>, vector<16xf32>,
      tpu.vector_store %arg11[%swap3A_115, %swap3A_116], %mul3A_114 {strides = array<i32>} : memref<128x64xf32, #tpu.memory_space<vmem>>, vector<16xf32>,
    }
    %scan3A_16 = arith.constant 128 : i32
    %iota3A = tpu.iota {dimensions = array<i32: 0>} : vector<16xi32>
    %xor3A = arith.constant 1 : i32
    %xor3A_17 = vector.broadcast %xor3A : i32 to vector<16xi32>
    %xor3A_18 = arith.xori %iota3A, %xor3A_17 : vector<16xi32>
    %xor3A_19 = arith.constant 2 : i32
    %xor3A_20 = vector.broadcast %xor3A_19 : i32 to vector<16xi32>
    %xor3A_21 = arith.xori %iota3A, %xor3A_20 : vector<16xi32>
    %xor3A_22 = arith.constant 4 : i32
    %xor3A_23 = vector.broadcast %xor3A_22 : i32 to vector<16xi32>
    %xor3A_24 = arith.xori %iota3A, %xor3A_23 : vector<16xi32>
    %xor3A_25 = arith.constant 8 : i32
    %xor3A_26 = vector.broadcast %xor3A_25 : i32 to vector<16xi32>
    %xor3A_27 = arith.xori %iota3A, %xor3A_26 : vector<16xi32>
    %and3A = arith.constant 1 : i32
    %and3A_28 = vector.broadcast %and3A : i32 to vector<16xi32>
    %and3A_29 = arith.andi %iota3A, %and3A_28 : vector<16xi32>
    %ne3A = arith.constant 0 : i32
    %ne3A_30 = vector.broadcast %ne3A : i32 to vector<16xi32>
    %ne3A_31 = arith.cmpi ne, %and3A_29, %ne3A_30 : vector<16xi32>
    %and3A_32 = arith.constant 2 : i32
    %and3A_33 = vector.broadcast %and3A_32 : i32 to vector<16xi32>
    %and3A_34 = arith.andi %iota3A, %and3A_33 : vector<16xi32>
    %ne3A_35 = arith.constant 0 : i32
    %ne3A_36 = vector.broadcast %ne3A_35 : i32 to vector<16xi32>
    %ne3A_37 = arith.cmpi ne, %and3A_34, %ne3A_36 : vector<16xi32>
    %and3A_38 = arith.constant 4 : i32
    %and3A_39 = vector.broadcast %and3A_38 : i32 to vector<16xi32>
    %and3A_40 = arith.andi %iota3A, %and3A_39 : vector<16xi32>
    %ne3A_41 = arith.constant 0 : i32
    %ne3A_42 = vector.broadcast %ne3A_41 : i32 to vector<16xi32>
    %ne3A_43 = arith.cmpi ne, %and3A_40, %ne3A_42 : vector<16xi32>
    %and3A_44 = arith.constant 8 : i32
    %and3A_45 = vector.broadcast %and3A_44 : i32 to vector<16xi32>
    %and3A_46 = arith.andi %iota3A, %and3A_45 : vector<16xi32>
    %ne3A_47 = arith.constant 0 : i32
    %ne3A_48 = vector.broadcast %ne3A_47 : i32 to vector<16xi32>
    %ne3A_49 = arith.cmpi ne, %and3A_46, %ne3A_48 : vector<16xi32>
    %dma_start3A_50 = arith.constant 0 : i32
    %dma_start3A_51 = arith.constant 0 : i32
    %dma_start3A_52 = arith.constant 0 : i32
    %dma_start3A_53 = tpu.memref_slice %arg13[%dma_start3A_51, %dma_start3A_52] : memref<208x64xf32, #tpu.memory_space<vmem>> -> memref<128x64xf32, #tpu.memory_space<vmem>>
    %dma_start3A_54 = arith.constant 0 : i32
    %dma_start3A_55 = tpu.memref_slice %arg10[%dma_start3A_50, %dma_start3A_54] : memref<128x200xi32, #tpu.memory_space<vmem>> -> memref<1x128xi32, #tpu.memory_space<vmem>>
    %dma_start3A_56 = tpu.memref_squeeze %dma_start3A_55 : memref<1x128xi32, #tpu.memory_space<vmem>> -> memref<128xi32, #tpu.memory_space<vmem>>
    %dma_start3A_57 = arith.constant 0 : i32
    %dma_start3A_58 = arith.constant 0 : i32
    %dma_start3A_59 = tpu.memref_slice %arg2[%dma_start3A_57, %dma_start3A_58] : memref<1000001x64xf32, #tpu.memory_space<hbm>> -> memref<1000001x64xf32, #tpu.memory_space<hbm>>
    tpu.enqueue_indirect_dma source(%dma_start3A_59 : memref<1000001x64xf32, #tpu.memory_space<hbm>>) target(%dma_start3A_53 : memref<128x64xf32, #tpu.memory_space<vmem>>) offsets(%dma_start3A_56 : memref<128xi32, #tpu.memory_space<vmem>>) semaphore(%arg17 : memref<!tpu.dma_semaphore, #tpu.memory_space<semaphore_mem>>)
    %dma_start3A_60 = arith.constant 0 : i32
    %dma_start3A_61 = arith.constant 128 : i32
    %dma_start3A_62 = arith.constant 0 : i32
    %dma_start3A_63 = tpu.memref_slice %arg13[%dma_start3A_61, %dma_start3A_62] : memref<208x64xf32, #tpu.memory_space<vmem>> -> memref<72x64xf32, #tpu.memory_space<vmem>>
    %dma_start3A_64 = arith.constant 128 : i32
    %dma_start3A_65 = tpu.memref_slice %arg10[%dma_start3A_60, %dma_start3A_64] : memref<128x200xi32, #tpu.memory_space<vmem>> -> memref<1x72xi32, #tpu.memory_space<vmem>>
    %dma_start3A_66 = tpu.memref_squeeze %dma_start3A_65 : memref<1x72xi32, #tpu.memory_space<vmem>> -> memref<72xi32, #tpu.memory_space<vmem>>
    %dma_start3A_67 = arith.constant 0 : i32
    %dma_start3A_68 = arith.constant 0 : i32
    %dma_start3A_69 = tpu.memref_slice %arg2[%dma_start3A_67, %dma_start3A_68] : memref<1000001x64xf32, #tpu.memory_space<hbm>> -> memref<1000001x64xf32, #tpu.memory_space<hbm>>
    tpu.enqueue_indirect_dma source(%dma_start3A_69 : memref<1000001x64xf32, #tpu.memory_space<hbm>>) target(%dma_start3A_63 : memref<72x64xf32, #tpu.memory_space<vmem>>) offsets(%dma_start3A_66 : memref<72xi32, #tpu.memory_space<vmem>>) semaphore(%arg18 : memref<!tpu.dma_semaphore, #tpu.memory_space<semaphore_mem>>)
    %scan3A_70 = arith.constant 0 : i32
    %scan3A_71 = arith.constant 64 : i32
    %scan3A_72 = arith.addi %scan3A_70, %scan3A_71 : i32
    %scan3A_73 = arith.constant 1 : i32
    scf.for %scan3A_75 = %scan3A_70 to %scan3A_72 step %scan3A_73  : i32 {
      %mul3A_76 = arith.constant 1 : i32
      %mul3A_77 = arith.muli %scan3A_75, %mul3A_76 : i32
      %add3A_78 = arith.constant 0 : i32
      %add3A_79 = arith.addi %add3A_78, %mul3A_77 : i32
      %mul3A_80 = arith.constant 2 : i32
      %mul3A_81 = arith.muli %add3A_79, %mul3A_80 : i32
      %add3A_82 = arith.constant 1 : i32
      %add3A_83 = arith.addi %mul3A_81, %add3A_82 : i32
      %dma_start3A_84 = arith.constant 0 : i32
      %dma_start3A_85 = arith.constant 0 : i32
      %dma_start3A_86 = tpu.memref_slice %arg14[%dma_start3A_84, %dma_start3A_85] : memref<208x64xf32, #tpu.memory_space<vmem>> -> memref<128x64xf32, #tpu.memory_space<vmem>>
      %dma_start3A_87 = arith.constant 0 : i32
      %dma_start3A_88 = tpu.memref_slice %arg10[%add3A_83, %dma_start3A_87] : memref<128x200xi32, #tpu.memory_space<vmem>> -> memref<1x128xi32, #tpu.memory_space<vmem>>
      %dma_start3A_89 = tpu.memref_squeeze %dma_start3A_88 : memref<1x128xi32, #tpu.memory_space<vmem>> -> memref<128xi32, #tpu.memory_space<vmem>>
      %dma_start3A_90 = arith.constant 0 : i32
      %dma_start3A_91 = arith.constant 0 : i32
      %dma_start3A_92 = tpu.memref_slice %arg2[%dma_start3A_90, %dma_start3A_91] : memref<1000001x64xf32, #tpu.memory_space<hbm>> -> memref<1000001x64xf32, #tpu.memory_space<hbm>>
      tpu.enqueue_indirect_dma source(%dma_start3A_92 : memref<1000001x64xf32, #tpu.memory_space<hbm>>) target(%dma_start3A_86 : memref<128x64xf32, #tpu.memory_space<vmem>>) offsets(%dma_start3A_89 : memref<128xi32, #tpu.memory_space<vmem>>) semaphore(%arg19 : memref<!tpu.dma_semaphore, #tpu.memory_space<semaphore_mem>>)
      %dma_start3A_93 = arith.constant 128 : i32
      %dma_start3A_94 = arith.constant 0 : i32
      %dma_start3A_95 = tpu.memref_slice %arg14[%dma_start3A_93, %dma_start3A_94] : memref<208x64xf32, #tpu.memory_space<vmem>> -> memref<72x64xf32, #tpu.memory_space<vmem>>
      %dma_start3A_96 = arith.constant 128 : i32
      %dma_start3A_97 = tpu.memref_slice %arg10[%add3A_83, %dma_start3A_96] : memref<128x200xi32, #tpu.memory_space<vmem>> -> memref<1x72xi32, #tpu.memory_space<vmem>>
      %dma_start3A_98 = tpu.memref_squeeze %dma_start3A_97 : memref<1x72xi32, #tpu.memory_space<vmem>> -> memref<72xi32, #tpu.memory_space<vmem>>
      %dma_start3A_99 = arith.constant 0 : i32
      %dma_start3A_100 = arith.constant 0 : i32
      %dma_start3A_101 = tpu.memref_slice %arg2[%dma_start3A_99, %dma_start3A_100] : memref<1000001x64xf32, #tpu.memory_space<hbm>> -> memref<1000001x64xf32, #tpu.memory_space<hbm>>
      tpu.enqueue_indirect_dma source(%dma_start3A_101 : memref<1000001x64xf32, #tpu.memory_space<hbm>>) target(%dma_start3A_95 : memref<72x64xf32, #tpu.memory_space<vmem>>) offsets(%dma_start3A_98 : memref<72xi32, #tpu.memory_space<vmem>>) semaphore(%arg20 : memref<!tpu.dma_semaphore, #tpu.memory_space<semaphore_mem>>)
      %dma_wait3A_102 = arith.constant 0 : i32
      %dma_wait3A_103 = arith.constant 0 : i32
      %dma_wait3A_104 = tpu.memref_slice %arg13[%dma_wait3A_102, %dma_wait3A_103] : memref<208x64xf32, #tpu.memory_space<vmem>> -> memref<128x64xf32, #tpu.memory_space<vmem>>
      %dma_wait3A_105 = arith.constant 0 : i32
      %dma_wait3A_106 = tpu.memref_slice %arg10[%mul3A_81, %dma_wait3A_105] : memref<128x200xi32, #tpu.memory_space<vmem>> -> memref<1x128xi32, #tpu.memory_space<vmem>>
      %dma_wait3A_107 = tpu.memref_squeeze %dma_wait3A_106 : memref<1x128xi32, #tpu.memory_space<vmem>> -> memref<128xi32, #tpu.memory_space<vmem>>
      %dma_wait3A_108 = arith.constant 0 : i32
      %dma_wait3A_109 = arith.constant 0 : i32
      %dma_wait3A_110 = tpu.memref_slice %arg2[%dma_wait3A_108, %dma_wait3A_109] : memref<1000001x64xf32, #tpu.memory_space<hbm>> -> memref<1000001x64xf32, #tpu.memory_space<hbm>>
      tpu.wait_indirect_dma semaphore(%arg17 : memref<!tpu.dma_semaphore, #tpu.memory_space<semaphore_mem>>) src(%dma_wait3A_110 : memref<1000001x64xf32, #tpu.memory_space<hbm>>) dst(%dma_wait3A_104 : memref<128x64xf32, #tpu.memory_space<vmem>>)
      %dma_wait3A_111 = arith.constant 128 : i32
      %dma_wait3A_112 = arith.constant 0 : i32
      %dma_wait3A_113 = tpu.memref_slice %arg13[%dma_wait3A_111, %dma_wait3A_112] : memref<208x64xf32, #tpu.memory_space<vmem>> -> memref<72x64xf32, #tpu.memory_space<vmem>>
      %dma_wait3A_114 = arith.constant 128 : i32
      %dma_wait3A_115 = tpu.memref_slice %arg10[%mul3A_81, %dma_wait3A_114] : memref<128x200xi32, #tpu.memory_space<vmem>> -> memref<1x72xi32, #tpu.memory_space<vmem>>
      %dma_wait3A_116 = tpu.memref_squeeze %dma_wait3A_115 : memref<1x72xi32, #tpu.memory_space<vmem>> -> memref<72xi32, #tpu.memory_space<vmem>>
      %dma_wait3A_117 = arith.constant 0 : i32
      %dma_wait3A_118 = arith.constant 0 : i32
      %dma_wait3A_119 = tpu.memref_slice %arg2[%dma_wait3A_117, %dma_wait3A_118] : memref<1000001x64xf32, #tpu.memory_space<hbm>> -> memref<1000001x64xf32, #tpu.memory_space<hbm>>
      tpu.wait_indirect_dma semaphore(%arg18 : memref<!tpu.dma_semaphore, #tpu.memory_space<semaphore_mem>>) src(%dma_wait3A_119 : memref<1000001x64xf32, #tpu.memory_space<hbm>>) dst(%dma_wait3A_113 : memref<72x64xf32, #tpu.memory_space<vmem>>)
      %get3A = arith.index_cast %mul3A_81 : i32 to index
      %get3A_120 = arith.constant 0 : index
      %get3A_121 = tpu.vector_load %arg11[%get3A, %get3A_120] {strides = array<i32>} : memref<128x64xf32, #tpu.memory_space<vmem>>, vector<16xf32>,
      %get3A_122 = arith.index_cast %mul3A_81 : i32 to index
      %get3A_123 = arith.constant 16 : index
      %get3A_124 = tpu.vector_load %arg11[%get3A_122, %get3A_123] {strides = array<i32>} : memref<128x64xf32, #tpu.memory_space<vmem>>, vector<16xf32>,
      %get3A_125 = arith.index_cast %mul3A_81 : i32 to index
      %get3A_126 = arith.constant 32 : index
      %get3A_127 = tpu.vector_load %arg11[%get3A_125, %get3A_126] {strides = array<i32>} : memref<128x64xf32, #tpu.memory_space<vmem>>, vector<16xf32>,
      %get3A_128 = arith.index_cast %mul3A_81 : i32 to index
      %get3A_129 = arith.constant 48 : index
      %get3A_130 = tpu.vector_load %arg11[%get3A_128, %get3A_129] {strides = array<i32>} : memref<128x64xf32, #tpu.memory_space<vmem>>, vector<16xf32>,
      %scan3A_131 = arith.constant 0 : i32
      %scan3A_132 = arith.constant 13 : i32
      %scan3A_133 = arith.addi %scan3A_131, %scan3A_132 : i32
      %scan3A_134 = arith.constant 1 : i32
      scf.for %scan3A_175 = %scan3A_131 to %scan3A_133 step %scan3A_134  : i32 {
        %mul3A_176 = arith.constant 1 : i32
        %mul3A_177 = arith.muli %scan3A_175, %mul3A_176 : i32
        %add3A_178 = arith.constant 0 : i32
        %add3A_179 = arith.addi %add3A_178, %mul3A_177 : i32
        %mul3A_180 = arith.constant 16 : i32
        %mul3A_181 = arith.muli %add3A_179, %mul3A_180 : i32
        %add3A_182 = arith.constant 0 : i32
        %add3A_183 = arith.addi %mul3A_181, %add3A_182 : i32
        %get3A_184 = arith.index_cast %add3A_183 : i32 to index
        %get3A_185 = arith.constant 0 : index
        %get3A_186 = tpu.vector_load %arg13[%get3A_184, %get3A_185] {strides = array<i32>} : memref<208x64xf32, #tpu.memory_space<vmem>>, vector<16xf32>,
        %mul3A_187 = arith.mulf %get3A_186, %get3A_121 : vector<16xf32>
        %get3A_188 = arith.index_cast %add3A_183 : i32 to index
        %get3A_189 = arith.constant 16 : index
        %get3A_190 = tpu.vector_load %arg13[%get3A_188, %get3A_189] {strides = array<i32>} : memref<208x64xf32, #tpu.memory_space<vmem>>, vector<16xf32>,
        %mul3A_191 = arith.mulf %get3A_190, %get3A_124 : vector<16xf32>
        %add3A_192 = arith.addf %mul3A_187, %mul3A_191 : vector<16xf32>
        %get3A_193 = arith.index_cast %add3A_183 : i32 to index
        %get3A_194 = arith.constant 32 : index
        %get3A_195 = tpu.vector_load %arg13[%get3A_193, %get3A_194] {strides = array<i32>} : memref<208x64xf32, #tpu.memory_space<vmem>>, vector<16xf32>,
        %mul3A_196 = arith.mulf %get3A_195, %get3A_127 : vector<16xf32>
        %add3A_197 = arith.addf %add3A_192, %mul3A_196 : vector<16xf32>
        %get3A_198 = arith.index_cast %add3A_183 : i32 to index
        %get3A_199 = arith.constant 48 : index
        %get3A_200 = tpu.vector_load %arg13[%get3A_198, %get3A_199] {strides = array<i32>} : memref<208x64xf32, #tpu.memory_space<vmem>>, vector<16xf32>,
        %mul3A_201 = arith.mulf %get3A_200, %get3A_130 : vector<16xf32>
        %add3A_202 = arith.addf %add3A_197, %mul3A_201 : vector<16xf32>
        %add3A_203 = arith.constant 1 : i32
        %add3A_204 = arith.addi %mul3A_181, %add3A_203 : i32
        %get3A_205 = arith.index_cast %add3A_204 : i32 to index
        %get3A_206 = arith.constant 0 : index
        %get3A_207 = tpu.vector_load %arg13[%get3A_205, %get3A_206] {strides = array<i32>} : memref<208x64xf32, #tpu.memory_space<vmem>>, vector<16xf32>,
        %mul3A_208 = arith.mulf %get3A_207, %get3A_121 : vector<16xf32>
        %get3A_209 = arith.index_cast %add3A_204 : i32 to index
        %get3A_210 = arith.constant 16 : index
        %get3A_211 = tpu.vector_load %arg13[%get3A_209, %get3A_210] {strides = array<i32>} : memref<208x64xf32, #tpu.memory_space<vmem>>, vector<16xf32>,
        %mul3A_212 = arith.mulf %get3A_211, %get3A_124 : vector<16xf32>
        %add3A_213 = arith.addf %mul3A_208, %mul3A_212 : vector<16xf32>
        %get3A_214 = arith.index_cast %add3A_204 : i32 to index
        %get3A_215 = arith.constant 32 : index
        %get3A_216 = tpu.vector_load %arg13[%get3A_214, %get3A_215] {strides = array<i32>} : memref<208x64xf32, #tpu.memory_space<vmem>>, vector<16xf32>,
        %mul3A_217 = arith.mulf %get3A_216, %get3A_127 : vector<16xf32>
        %add3A_218 = arith.addf %add3A_213, %mul3A_217 : vector<16xf32>
        %get3A_219 = arith.index_cast %add3A_204 : i32 to index
        %get3A_220 = arith.constant 48 : index
        %get3A_221 = tpu.vector_load %arg13[%get3A_219, %get3A_220] {strides = array<i32>} : memref<208x64xf32, #tpu.memory_space<vmem>>, vector<16xf32>,
        %mul3A_222 = arith.mulf %get3A_221, %get3A_130 : vector<16xf32>
        %add3A_223 = arith.addf %add3A_218, %mul3A_222 : vector<16xf32>
        %add3A_224 = arith.constant 2 : i32
        %add3A_225 = arith.addi %mul3A_181, %add3A_224 : i32
        %get3A_226 = arith.index_cast %add3A_225 : i32 to index
        %get3A_227 = arith.constant 0 : index
        %get3A_228 = tpu.vector_load %arg13[%get3A_226, %get3A_227] {strides = array<i32>} : memref<208x64xf32, #tpu.memory_space<vmem>>, vector<16xf32>,
        %mul3A_229 = arith.mulf %get3A_228, %get3A_121 : vector<16xf32>
        %get3A_230 = arith.index_cast %add3A_225 : i32 to index
        %get3A_231 = arith.constant 16 : index
        %get3A_232 = tpu.vector_load %arg13[%get3A_230, %get3A_231] {strides = array<i32>} : memref<208x64xf32, #tpu.memory_space<vmem>>, vector<16xf32>,
        %mul3A_233 = arith.mulf %get3A_232, %get3A_124 : vector<16xf32>
        %add3A_234 = arith.addf %mul3A_229, %mul3A_233 : vector<16xf32>
        %get3A_235 = arith.index_cast %add3A_225 : i32 to index
        %get3A_236 = arith.constant 32 : index
        %get3A_237 = tpu.vector_load %arg13[%get3A_235, %get3A_236] {strides = array<i32>} : memref<208x64xf32, #tpu.memory_space<vmem>>, vector<16xf32>,
        %mul3A_238 = arith.mulf %get3A_237, %get3A_127 : vector<16xf32>
        %add3A_239 = arith.addf %add3A_234, %mul3A_238 : vector<16xf32>
        %get3A_240 = arith.index_cast %add3A_225 : i32 to index
        %get3A_241 = arith.constant 48 : index
        %get3A_242 = tpu.vector_load %arg13[%get3A_240, %get3A_241] {strides = array<i32>} : memref<208x64xf32, #tpu.memory_space<vmem>>, vector<16xf32>,
        %mul3A_243 = arith.mulf %get3A_242, %get3A_130 : vector<16xf32>
        %add3A_244 = arith.addf %add3A_239, %mul3A_243 : vector<16xf32>
        %add3A_245 = arith.constant 3 : i32
        %add3A_246 = arith.addi %mul3A_181, %add3A_245 : i32
        %get3A_247 = arith.index_cast %add3A_246 : i32 to index
        %get3A_248 = arith.constant 0 : index
        %get3A_249 = tpu.vector_load %arg13[%get3A_247, %get3A_248] {strides = array<i32>} : memref<208x64xf32, #tpu.memory_space<vmem>>, vector<16xf32>,
        %mul3A_250 = arith.mulf %get3A_249, %get3A_121 : vector<16xf32>
        %get3A_251 = arith.index_cast %add3A_246 : i32 to index
        %get3A_252 = arith.constant 16 : index
        %get3A_253 = tpu.vector_load %arg13[%get3A_251, %get3A_252] {strides = array<i32>} : memref<208x64xf32, #tpu.memory_space<vmem>>, vector<16xf32>,
        %mul3A_254 = arith.mulf %get3A_253, %get3A_124 : vector<16xf32>
        %add3A_255 = arith.addf %mul3A_250, %mul3A_254 : vector<16xf32>
        %get3A_256 = arith.index_cast %add3A_246 : i32 to index
        %get3A_257 = arith.constant 32 : index
        %get3A_258 = tpu.vector_load %arg13[%get3A_256, %get3A_257] {strides = array<i32>} : memref<208x64xf32, #tpu.memory_space<vmem>>, vector<16xf32>,
        %mul3A_259 = arith.mulf %get3A_258, %get3A_127 : vector<16xf32>
        %add3A_260 = arith.addf %add3A_255, %mul3A_259 : vector<16xf32>
        %get3A_261 = arith.index_cast %add3A_246 : i32 to index
        %get3A_262 = arith.constant 48 : index
        %get3A_263 = tpu.vector_load %arg13[%get3A_261, %get3A_262] {strides = array<i32>} : memref<208x64xf32, #tpu.memory_space<vmem>>, vector<16xf32>,
        %mul3A_264 = arith.mulf %get3A_263, %get3A_130 : vector<16xf32>
        %add3A_265 = arith.addf %add3A_260, %mul3A_264 : vector<16xf32>
        %add3A_266 = arith.constant 4 : i32
        %add3A_267 = arith.addi %mul3A_181, %add3A_266 : i32
        %get3A_268 = arith.index_cast %add3A_267 : i32 to index
        %get3A_269 = arith.constant 0 : index
        %get3A_270 = tpu.vector_load %arg13[%get3A_268, %get3A_269] {strides = array<i32>} : memref<208x64xf32, #tpu.memory_space<vmem>>, vector<16xf32>,
        %mul3A_271 = arith.mulf %get3A_270, %get3A_121 : vector<16xf32>
        %get3A_272 = arith.index_cast %add3A_267 : i32 to index
        %get3A_273 = arith.constant 16 : index
        %get3A_274 = tpu.vector_load %arg13[%get3A_272, %get3A_273] {strides = array<i32>} : memref<208x64xf32, #tpu.memory_space<vmem>>, vector<16xf32>,
        %mul3A_275 = arith.mulf %get3A_274, %get3A_124 : vector<16xf32>
        %add3A_276 = arith.addf %mul3A_271, %mul3A_275 : vector<16xf32>
        %get3A_277 = arith.index_cast %add3A_267 : i32 to index
        %get3A_278 = arith.constant 32 : index
        %get3A_279 = tpu.vector_load %arg13[%get3A_277, %get3A_278] {strides = array<i32>} : memref<208x64xf32, #tpu.memory_space<vmem>>, vector<16xf32>,
        %mul3A_280 = arith.mulf %get3A_279, %get3A_127 : vector<16xf32>
        %add3A_281 = arith.addf %add3A_276, %mul3A_280 : vector<16xf32>
        %get3A_282 = arith.index_cast %add3A_267 : i32 to index
        %get3A_283 = arith.constant 48 : index
        %get3A_284 = tpu.vector_load %arg13[%get3A_282, %get3A_283] {strides = array<i32>} : memref<208x64xf32, #tpu.memory_space<vmem>>, vector<16xf32>,
        %mul3A_285 = arith.mulf %get3A_284, %get3A_130 : vector<16xf32>
        %add3A_286 = arith.addf %add3A_281, %mul3A_285 : vector<16xf32>
        %add3A_287 = arith.constant 5 : i32
        %add3A_288 = arith.addi %mul3A_181, %add3A_287 : i32
        %get3A_289 = arith.index_cast %add3A_288 : i32 to index
        %get3A_290 = arith.constant 0 : index
        %get3A_291 = tpu.vector_load %arg13[%get3A_289, %get3A_290] {strides = array<i32>} : memref<208x64xf32, #tpu.memory_space<vmem>>, vector<16xf32>,
        %mul3A_292 = arith.mulf %get3A_291, %get3A_121 : vector<16xf32>
        %get3A_293 = arith.index_cast %add3A_288 : i32 to index
        %get3A_294 = arith.constant 16 : index
        %get3A_295 = tpu.vector_load %arg13[%get3A_293, %get3A_294] {strides = array<i32>} : memref<208x64xf32, #tpu.memory_space<vmem>>, vector<16xf32>,
        %mul3A_296 = arith.mulf %get3A_295, %get3A_124 : vector<16xf32>
        %add3A_297 = arith.addf %mul3A_292, %mul3A_296 : vector<16xf32>
        %get3A_298 = arith.index_cast %add3A_288 : i32 to index
        %get3A_299 = arith.constant 32 : index
        %get3A_300 = tpu.vector_load %arg13[%get3A_298, %get3A_299] {strides = array<i32>} : memref<208x64xf32, #tpu.memory_space<vmem>>, vector<16xf32>,
        %mul3A_301 = arith.mulf %get3A_300, %get3A_127 : vector<16xf32>
        %add3A_302 = arith.addf %add3A_297, %mul3A_301 : vector<16xf32>
        %get3A_303 = arith.index_cast %add3A_288 : i32 to index
        %get3A_304 = arith.constant 48 : index
        %get3A_305 = tpu.vector_load %arg13[%get3A_303, %get3A_304] {strides = array<i32>} : memref<208x64xf32, #tpu.memory_space<vmem>>, vector<16xf32>,
        %mul3A_306 = arith.mulf %get3A_305, %get3A_130 : vector<16xf32>
        %add3A_307 = arith.addf %add3A_302, %mul3A_306 : vector<16xf32>
        %add3A_308 = arith.constant 6 : i32
        %add3A_309 = arith.addi %mul3A_181, %add3A_308 : i32
        %get3A_310 = arith.index_cast %add3A_309 : i32 to index
        %get3A_311 = arith.constant 0 : index
        %get3A_312 = tpu.vector_load %arg13[%get3A_310, %get3A_311] {strides = array<i32>} : memref<208x64xf32, #tpu.memory_space<vmem>>, vector<16xf32>,
        %mul3A_313 = arith.mulf %get3A_312, %get3A_121 : vector<16xf32>
        %get3A_314 = arith.index_cast %add3A_309 : i32 to index
        %get3A_315 = arith.constant 16 : index
        %get3A_316 = tpu.vector_load %arg13[%get3A_314, %get3A_315] {strides = array<i32>} : memref<208x64xf32, #tpu.memory_space<vmem>>, vector<16xf32>,
        %mul3A_317 = arith.mulf %get3A_316, %get3A_124 : vector<16xf32>
        %add3A_318 = arith.addf %mul3A_313, %mul3A_317 : vector<16xf32>
        %get3A_319 = arith.index_cast %add3A_309 : i32 to index
        %get3A_320 = arith.constant 32 : index
        %get3A_321 = tpu.vector_load %arg13[%get3A_319, %get3A_320] {strides = array<i32>} : memref<208x64xf32, #tpu.memory_space<vmem>>, vector<16xf32>,
        %mul3A_322 = arith.mulf %get3A_321, %get3A_127 : vector<16xf32>
        %add3A_323 = arith.addf %add3A_318, %mul3A_322 : vector<16xf32>
        %get3A_324 = arith.index_cast %add3A_309 : i32 to index
        %get3A_325 = arith.constant 48 : index
        %get3A_326 = tpu.vector_load %arg13[%get3A_324, %get3A_325] {strides = array<i32>} : memref<208x64xf32, #tpu.memory_space<vmem>>, vector<16xf32>,
        %mul3A_327 = arith.mulf %get3A_326, %get3A_130 : vector<16xf32>
        %add3A_328 = arith.addf %add3A_323, %mul3A_327 : vector<16xf32>
        %add3A_329 = arith.constant 7 : i32
        %add3A_330 = arith.addi %mul3A_181, %add3A_329 : i32
        %get3A_331 = arith.index_cast %add3A_330 : i32 to index
        %get3A_332 = arith.constant 0 : index
        %get3A_333 = tpu.vector_load %arg13[%get3A_331, %get3A_332] {strides = array<i32>} : memref<208x64xf32, #tpu.memory_space<vmem>>, vector<16xf32>,
        %mul3A_334 = arith.mulf %get3A_333, %get3A_121 : vector<16xf32>
        %get3A_335 = arith.index_cast %add3A_330 : i32 to index
        %get3A_336 = arith.constant 16 : index
        %get3A_337 = tpu.vector_load %arg13[%get3A_335, %get3A_336] {strides = array<i32>} : memref<208x64xf32, #tpu.memory_space<vmem>>, vector<16xf32>,
        %mul3A_338 = arith.mulf %get3A_337, %get3A_124 : vector<16xf32>
        %add3A_339 = arith.addf %mul3A_334, %mul3A_338 : vector<16xf32>
        %get3A_340 = arith.index_cast %add3A_330 : i32 to index
        %get3A_341 = arith.constant 32 : index
        %get3A_342 = tpu.vector_load %arg13[%get3A_340, %get3A_341] {strides = array<i32>} : memref<208x64xf32, #tpu.memory_space<vmem>>, vector<16xf32>,
        %mul3A_343 = arith.mulf %get3A_342, %get3A_127 : vector<16xf32>
        %add3A_344 = arith.addf %add3A_339, %mul3A_343 : vector<16xf32>
        %get3A_345 = arith.index_cast %add3A_330 : i32 to index
        %get3A_346 = arith.constant 48 : index
        %get3A_347 = tpu.vector_load %arg13[%get3A_345, %get3A_346] {strides = array<i32>} : memref<208x64xf32, #tpu.memory_space<vmem>>, vector<16xf32>,
        %mul3A_348 = arith.mulf %get3A_347, %get3A_130 : vector<16xf32>
        %add3A_349 = arith.addf %add3A_344, %mul3A_348 : vector<16xf32>
        %add3A_350 = arith.constant 8 : i32
        %add3A_351 = arith.addi %mul3A_181, %add3A_350 : i32
        %get3A_352 = arith.index_cast %add3A_351 : i32 to index
        %get3A_353 = arith.constant 0 : index
        %get3A_354 = tpu.vector_load %arg13[%get3A_352, %get3A_353] {strides = array<i32>} : memref<208x64xf32, #tpu.memory_space<vmem>>, vector<16xf32>,
        %mul3A_355 = arith.mulf %get3A_354, %get3A_121 : vector<16xf32>
        %get3A_356 = arith.index_cast %add3A_351 : i32 to index
        %get3A_357 = arith.constant 16 : index
        %get3A_358 = tpu.vector_load %arg13[%get3A_356, %get3A_357] {strides = array<i32>} : memref<208x64xf32, #tpu.memory_space<vmem>>, vector<16xf32>,
        %mul3A_359 = arith.mulf %get3A_358, %get3A_124 : vector<16xf32>
        %add3A_360 = arith.addf %mul3A_355, %mul3A_359 : vector<16xf32>
        %get3A_361 = arith.index_cast %add3A_351 : i32 to index
        %get3A_362 = arith.constant 32 : index
        %get3A_363 = tpu.vector_load %arg13[%get3A_361, %get3A_362] {strides = array<i32>} : memref<208x64xf32, #tpu.memory_space<vmem>>, vector<16xf32>,
        %mul3A_364 = arith.mulf %get3A_363, %get3A_127 : vector<16xf32>
        %add3A_365 = arith.addf %add3A_360, %mul3A_364 : vector<16xf32>
        %get3A_366 = arith.index_cast %add3A_351 : i32 to index
        %get3A_367 = arith.constant 48 : index
        %get3A_368 = tpu.vector_load %arg13[%get3A_366, %get3A_367] {strides = array<i32>} : memref<208x64xf32, #tpu.memory_space<vmem>>, vector<16xf32>,
        %mul3A_369 = arith.mulf %get3A_368, %get3A_130 : vector<16xf32>
        %add3A_370 = arith.addf %add3A_365, %mul3A_369 : vector<16xf32>
        %add3A_371 = arith.constant 9 : i32
        %add3A_372 = arith.addi %mul3A_181, %add3A_371 : i32
        %get3A_373 = arith.index_cast %add3A_372 : i32 to index
        %get3A_374 = arith.constant 0 : index
        %get3A_375 = tpu.vector_load %arg13[%get3A_373, %get3A_374] {strides = array<i32>} : memref<208x64xf32, #tpu.memory_space<vmem>>, vector<16xf32>,
        %mul3A_376 = arith.mulf %get3A_375, %get3A_121 : vector<16xf32>
        %get3A_377 = arith.index_cast %add3A_372 : i32 to index
        %get3A_378 = arith.constant 16 : index
        %get3A_379 = tpu.vector_load %arg13[%get3A_377, %get3A_378] {strides = array<i32>} : memref<208x64xf32, #tpu.memory_space<vmem>>, vector<16xf32>,
        %mul3A_380 = arith.mulf %get3A_379, %get3A_124 : vector<16xf32>
        %add3A_381 = arith.addf %mul3A_376, %mul3A_380 : vector<16xf32>
        %get3A_382 = arith.index_cast %add3A_372 : i32 to index
        %get3A_383 = arith.constant 32 : index
        %get3A_384 = tpu.vector_load %arg13[%get3A_382, %get3A_383] {strides = array<i32>} : memref<208x64xf32, #tpu.memory_space<vmem>>, vector<16xf32>,
        %mul3A_385 = arith.mulf %get3A_384, %get3A_127 : vector<16xf32>
        %add3A_386 = arith.addf %add3A_381, %mul3A_385 : vector<16xf32>
        %get3A_387 = arith.index_cast %add3A_372 : i32 to index
        %get3A_388 = arith.constant 48 : index
        %get3A_389 = tpu.vector_load %arg13[%get3A_387, %get3A_388] {strides = array<i32>} : memref<208x64xf32, #tpu.memory_space<vmem>>, vector<16xf32>,
        %mul3A_390 = arith.mulf %get3A_389, %get3A_130 : vector<16xf32>
        %add3A_391 = arith.addf %add3A_386, %mul3A_390 : vector<16xf32>
        %add3A_392 = arith.constant 10 : i32
        %add3A_393 = arith.addi %mul3A_181, %add3A_392 : i32
        %get3A_394 = arith.index_cast %add3A_393 : i32 to index
        %get3A_395 = arith.constant 0 : index
        %get3A_396 = tpu.vector_load %arg13[%get3A_394, %get3A_395] {strides = array<i32>} : memref<208x64xf32, #tpu.memory_space<vmem>>, vector<16xf32>,
        %mul3A_397 = arith.mulf %get3A_396, %get3A_121 : vector<16xf32>
        %get3A_398 = arith.index_cast %add3A_393 : i32 to index
        %get3A_399 = arith.constant 16 : index
        %get3A_400 = tpu.vector_load %arg13[%get3A_398, %get3A_399] {strides = array<i32>} : memref<208x64xf32, #tpu.memory_space<vmem>>, vector<16xf32>,
        %mul3A_401 = arith.mulf %get3A_400, %get3A_124 : vector<16xf32>
        %add3A_402 = arith.addf %mul3A_397, %mul3A_401 : vector<16xf32>
        %get3A_403 = arith.index_cast %add3A_393 : i32 to index
        %get3A_404 = arith.constant 32 : index
        %get3A_405 = tpu.vector_load %arg13[%get3A_403, %get3A_404] {strides = array<i32>} : memref<208x64xf32, #tpu.memory_space<vmem>>, vector<16xf32>,
        %mul3A_406 = arith.mulf %get3A_405, %get3A_127 : vector<16xf32>
        %add3A_407 = arith.addf %add3A_402, %mul3A_406 : vector<16xf32>
        %get3A_408 = arith.index_cast %add3A_393 : i32 to index
        %get3A_409 = arith.constant 48 : index
        %get3A_410 = tpu.vector_load %arg13[%get3A_408, %get3A_409] {strides = array<i32>} : memref<208x64xf32, #tpu.memory_space<vmem>>, vector<16xf32>,
        %mul3A_411 = arith.mulf %get3A_410, %get3A_130 : vector<16xf32>
        %add3A_412 = arith.addf %add3A_407, %mul3A_411 : vector<16xf32>
        %add3A_413 = arith.constant 11 : i32
        %add3A_414 = arith.addi %mul3A_181, %add3A_413 : i32
        %get3A_415 = arith.index_cast %add3A_414 : i32 to index
        %get3A_416 = arith.constant 0 : index
        %get3A_417 = tpu.vector_load %arg13[%get3A_415, %get3A_416] {strides = array<i32>} : memref<208x64xf32, #tpu.memory_space<vmem>>, vector<16xf32>,
        %mul3A_418 = arith.mulf %get3A_417, %get3A_121 : vector<16xf32>
        %get3A_419 = arith.index_cast %add3A_414 : i32 to index
        %get3A_420 = arith.constant 16 : index
        %get3A_421 = tpu.vector_load %arg13[%get3A_419, %get3A_420] {strides = array<i32>} : memref<208x64xf32, #tpu.memory_space<vmem>>, vector<16xf32>,
        %mul3A_422 = arith.mulf %get3A_421, %get3A_124 : vector<16xf32>
        %add3A_423 = arith.addf %mul3A_418, %mul3A_422 : vector<16xf32>
        %get3A_424 = arith.index_cast %add3A_414 : i32 to index
        %get3A_425 = arith.constant 32 : index
        %get3A_426 = tpu.vector_load %arg13[%get3A_424, %get3A_425] {strides = array<i32>} : memref<208x64xf32, #tpu.memory_space<vmem>>, vector<16xf32>,
        %mul3A_427 = arith.mulf %get3A_426, %get3A_127 : vector<16xf32>
        %add3A_428 = arith.addf %add3A_423, %mul3A_427 : vector<16xf32>
        %get3A_429 = arith.index_cast %add3A_414 : i32 to index
        %get3A_430 = arith.constant 48 : index
        %get3A_431 = tpu.vector_load %arg13[%get3A_429, %get3A_430] {strides = array<i32>} : memref<208x64xf32, #tpu.memory_space<vmem>>, vector<16xf32>,
        %mul3A_432 = arith.mulf %get3A_431, %get3A_130 : vector<16xf32>
        %add3A_433 = arith.addf %add3A_428, %mul3A_432 : vector<16xf32>
        %add3A_434 = arith.constant 12 : i32
        %add3A_435 = arith.addi %mul3A_181, %add3A_434 : i32
        %get3A_436 = arith.index_cast %add3A_435 : i32 to index
        %get3A_437 = arith.constant 0 : index
        %get3A_438 = tpu.vector_load %arg13[%get3A_436, %get3A_437] {strides = array<i32>} : memref<208x64xf32, #tpu.memory_space<vmem>>, vector<16xf32>,
        %mul3A_439 = arith.mulf %get3A_438, %get3A_121 : vector<16xf32>
        %get3A_440 = arith.index_cast %add3A_435 : i32 to index
        %get3A_441 = arith.constant 16 : index
        %get3A_442 = tpu.vector_load %arg13[%get3A_440, %get3A_441] {strides = array<i32>} : memref<208x64xf32, #tpu.memory_space<vmem>>, vector<16xf32>,
        %mul3A_443 = arith.mulf %get3A_442, %get3A_124 : vector<16xf32>
        %add3A_444 = arith.addf %mul3A_439, %mul3A_443 : vector<16xf32>
        %get3A_445 = arith.index_cast %add3A_435 : i32 to index
        %get3A_446 = arith.constant 32 : index
        %get3A_447 = tpu.vector_load %arg13[%get3A_445, %get3A_446] {strides = array<i32>} : memref<208x64xf32, #tpu.memory_space<vmem>>, vector<16xf32>,
        %mul3A_448 = arith.mulf %get3A_447, %get3A_127 : vector<16xf32>
        %add3A_449 = arith.addf %add3A_444, %mul3A_448 : vector<16xf32>
        %get3A_450 = arith.index_cast %add3A_435 : i32 to index
        %get3A_451 = arith.constant 48 : index
        %get3A_452 = tpu.vector_load %arg13[%get3A_450, %get3A_451] {strides = array<i32>} : memref<208x64xf32, #tpu.memory_space<vmem>>, vector<16xf32>,
        %mul3A_453 = arith.mulf %get3A_452, %get3A_130 : vector<16xf32>
        %add3A_454 = arith.addf %add3A_449, %mul3A_453 : vector<16xf32>
        %add3A_455 = arith.constant 13 : i32
        %add3A_456 = arith.addi %mul3A_181, %add3A_455 : i32
        %get3A_457 = arith.index_cast %add3A_456 : i32 to index
        %get3A_458 = arith.constant 0 : index
        %get3A_459 = tpu.vector_load %arg13[%get3A_457, %get3A_458] {strides = array<i32>} : memref<208x64xf32, #tpu.memory_space<vmem>>, vector<16xf32>,
        %mul3A_460 = arith.mulf %get3A_459, %get3A_121 : vector<16xf32>
        %get3A_461 = arith.index_cast %add3A_456 : i32 to index
        %get3A_462 = arith.constant 16 : index
        %get3A_463 = tpu.vector_load %arg13[%get3A_461, %get3A_462] {strides = array<i32>} : memref<208x64xf32, #tpu.memory_space<vmem>>, vector<16xf32>,
        %mul3A_464 = arith.mulf %get3A_463, %get3A_124 : vector<16xf32>
        %add3A_465 = arith.addf %mul3A_460, %mul3A_464 : vector<16xf32>
        %get3A_466 = arith.index_cast %add3A_456 : i32 to index
        %get3A_467 = arith.constant 32 : index
        %get3A_468 = tpu.vector_load %arg13[%get3A_466, %get3A_467] {strides = array<i32>} : memref<208x64xf32, #tpu.memory_space<vmem>>, vector<16xf32>,
        %mul3A_469 = arith.mulf %get3A_468, %get3A_127 : vector<16xf32>
        %add3A_470 = arith.addf %add3A_465, %mul3A_469 : vector<16xf32>
        %get3A_471 = arith.index_cast %add3A_456 : i32 to index
        %get3A_472 = arith.constant 48 : index
        %get3A_473 = tpu.vector_load %arg13[%get3A_471, %get3A_472] {strides = array<i32>} : memref<208x64xf32, #tpu.memory_space<vmem>>, vector<16xf32>,
        %mul3A_474 = arith.mulf %get3A_473, %get3A_130 : vector<16xf32>
        %add3A_475 = arith.addf %add3A_470, %mul3A_474 : vector<16xf32>
        %add3A_476 = arith.constant 14 : i32
        %add3A_477 = arith.addi %mul3A_181, %add3A_476 : i32
        %get3A_478 = arith.index_cast %add3A_477 : i32 to index
        %get3A_479 = arith.constant 0 : index
        %get3A_480 = tpu.vector_load %arg13[%get3A_478, %get3A_479] {strides = array<i32>} : memref<208x64xf32, #tpu.memory_space<vmem>>, vector<16xf32>,
        %mul3A_481 = arith.mulf %get3A_480, %get3A_121 : vector<16xf32>
        %get3A_482 = arith.index_cast %add3A_477 : i32 to index
        %get3A_483 = arith.constant 16 : index
        %get3A_484 = tpu.vector_load %arg13[%get3A_482, %get3A_483] {strides = array<i32>} : memref<208x64xf32, #tpu.memory_space<vmem>>, vector<16xf32>,
        %mul3A_485 = arith.mulf %get3A_484, %get3A_124 : vector<16xf32>
        %add3A_486 = arith.addf %mul3A_481, %mul3A_485 : vector<16xf32>
        %get3A_487 = arith.index_cast %add3A_477 : i32 to index
        %get3A_488 = arith.constant 32 : index
        %get3A_489 = tpu.vector_load %arg13[%get3A_487, %get3A_488] {strides = array<i32>} : memref<208x64xf32, #tpu.memory_space<vmem>>, vector<16xf32>,
        %mul3A_490 = arith.mulf %get3A_489, %get3A_127 : vector<16xf32>
        %add3A_491 = arith.addf %add3A_486, %mul3A_490 : vector<16xf32>
        %get3A_492 = arith.index_cast %add3A_477 : i32 to index
        %get3A_493 = arith.constant 48 : index
        %get3A_494 = tpu.vector_load %arg13[%get3A_492, %get3A_493] {strides = array<i32>} : memref<208x64xf32, #tpu.memory_space<vmem>>, vector<16xf32>,
        %mul3A_495 = arith.mulf %get3A_494, %get3A_130 : vector<16xf32>
        %add3A_496 = arith.addf %add3A_491, %mul3A_495 : vector<16xf32>
        %add3A_497 = arith.constant 15 : i32
        %add3A_498 = arith.addi %mul3A_181, %add3A_497 : i32
        %get3A_499 = arith.index_cast %add3A_498 : i32 to index
        %get3A_500 = arith.constant 0 : index
        %get3A_501 = tpu.vector_load %arg13[%get3A_499, %get3A_500] {strides = array<i32>} : memref<208x64xf32, #tpu.memory_space<vmem>>, vector<16xf32>,
        %mul3A_502 = arith.mulf %get3A_501, %get3A_121 : vector<16xf32>
        %get3A_503 = arith.index_cast %add3A_498 : i32 to index
        %get3A_504 = arith.constant 16 : index
        %get3A_505 = tpu.vector_load %arg13[%get3A_503, %get3A_504] {strides = array<i32>} : memref<208x64xf32, #tpu.memory_space<vmem>>, vector<16xf32>,
        %mul3A_506 = arith.mulf %get3A_505, %get3A_124 : vector<16xf32>
        %add3A_507 = arith.addf %mul3A_502, %mul3A_506 : vector<16xf32>
        %get3A_508 = arith.index_cast %add3A_498 : i32 to index
        %get3A_509 = arith.constant 32 : index
        %get3A_510 = tpu.vector_load %arg13[%get3A_508, %get3A_509] {strides = array<i32>} : memref<208x64xf32, #tpu.memory_space<vmem>>, vector<16xf32>,
        %mul3A_511 = arith.mulf %get3A_510, %get3A_127 : vector<16xf32>
        %add3A_512 = arith.addf %add3A_507, %mul3A_511 : vector<16xf32>
        %get3A_513 = arith.index_cast %add3A_498 : i32 to index
        %get3A_514 = arith.constant 48 : index
        %get3A_515 = tpu.vector_load %arg13[%get3A_513, %get3A_514] {strides = array<i32>} : memref<208x64xf32, #tpu.memory_space<vmem>>, vector<16xf32>,
        %mul3A_516 = arith.mulf %get3A_515, %get3A_130 : vector<16xf32>
        %add3A_517 = arith.addf %add3A_512, %mul3A_516 : vector<16xf32>
        %broadcast_in_dim3A = vector.shape_cast %xor3A_18 : vector<16xi32> to vector<16x1xi32>
        %gather3A = vector.shape_cast %broadcast_in_dim3A : vector<16x1xi32> to vector<16xi32>
        %gather3A_518 = tpu.dynamic_gather %add3A_202[%gather3A] in [0] : vector<16xf32>, vector<16xi32> -> vector<16xf32>
        %add3A_519 = arith.addf %add3A_202, %gather3A_518 : vector<16xf32>
        %broadcast_in_dim3A_520 = vector.shape_cast %xor3A_18 : vector<16xi32> to vector<16x1xi32>
        %gather3A_521 = vector.shape_cast %broadcast_in_dim3A_520 : vector<16x1xi32> to vector<16xi32>
        %gather3A_522 = tpu.dynamic_gather %add3A_223[%gather3A_521] in [0] : vector<16xf32>, vector<16xi32> -> vector<16xf32>
        %add3A_523 = arith.addf %add3A_223, %gather3A_522 : vector<16xf32>
        %broadcast_in_dim3A_524 = vector.shape_cast %xor3A_18 : vector<16xi32> to vector<16x1xi32>
        %gather3A_525 = vector.shape_cast %broadcast_in_dim3A_524 : vector<16x1xi32> to vector<16xi32>
        %gather3A_526 = tpu.dynamic_gather %add3A_244[%gather3A_525] in [0] : vector<16xf32>, vector<16xi32> -> vector<16xf32>
        %add3A_527 = arith.addf %add3A_244, %gather3A_526 : vector<16xf32>
        %broadcast_in_dim3A_528 = vector.shape_cast %xor3A_18 : vector<16xi32> to vector<16x1xi32>
        %gather3A_529 = vector.shape_cast %broadcast_in_dim3A_528 : vector<16x1xi32> to vector<16xi32>
        %gather3A_530 = tpu.dynamic_gather %add3A_265[%gather3A_529] in [0] : vector<16xf32>, vector<16xi32> -> vector<16xf32>
        %add3A_531 = arith.addf %add3A_265, %gather3A_530 : vector<16xf32>
        %broadcast_in_dim3A_532 = vector.shape_cast %xor3A_18 : vector<16xi32> to vector<16x1xi32>
        %gather3A_533 = vector.shape_cast %broadcast_in_dim3A_532 : vector<16x1xi32> to vector<16xi32>
        %gather3A_534 = tpu.dynamic_gather %add3A_286[%gather3A_533] in [0] : vector<16xf32>, vector<16xi32> -> vector<16xf32>
        %add3A_535 = arith.addf %add3A_286, %gather3A_534 : vector<16xf32>
        %broadcast_in_dim3A_536 = vector.shape_cast %xor3A_18 : vector<16xi32> to vector<16x1xi32>
        %gather3A_537 = vector.shape_cast %broadcast_in_dim3A_536 : vector<16x1xi32> to vector<16xi32>
        %gather3A_538 = tpu.dynamic_gather %add3A_307[%gather3A_537] in [0] : vector<16xf32>, vector<16xi32> -> vector<16xf32>
        %add3A_539 = arith.addf %add3A_307, %gather3A_538 : vector<16xf32>
        %broadcast_in_dim3A_540 = vector.shape_cast %xor3A_18 : vector<16xi32> to vector<16x1xi32>
        %gather3A_541 = vector.shape_cast %broadcast_in_dim3A_540 : vector<16x1xi32> to vector<16xi32>
        %gather3A_542 = tpu.dynamic_gather %add3A_328[%gather3A_541] in [0] : vector<16xf32>, vector<16xi32> -> vector<16xf32>
        %add3A_543 = arith.addf %add3A_328, %gather3A_542 : vector<16xf32>
        %broadcast_in_dim3A_544 = vector.shape_cast %xor3A_18 : vector<16xi32> to vector<16x1xi32>
        %gather3A_545 = vector.shape_cast %broadcast_in_dim3A_544 : vector<16x1xi32> to vector<16xi32>
        %gather3A_546 = tpu.dynamic_gather %add3A_349[%gather3A_545] in [0] : vector<16xf32>, vector<16xi32> -> vector<16xf32>
        %add3A_547 = arith.addf %add3A_349, %gather3A_546 : vector<16xf32>
        %broadcast_in_dim3A_548 = vector.shape_cast %xor3A_18 : vector<16xi32> to vector<16x1xi32>
        %gather3A_549 = vector.shape_cast %broadcast_in_dim3A_548 : vector<16x1xi32> to vector<16xi32>
        %gather3A_550 = tpu.dynamic_gather %add3A_370[%gather3A_549] in [0] : vector<16xf32>, vector<16xi32> -> vector<16xf32>
        %add3A_551 = arith.addf %add3A_370, %gather3A_550 : vector<16xf32>
        %broadcast_in_dim3A_552 = vector.shape_cast %xor3A_18 : vector<16xi32> to vector<16x1xi32>
        %gather3A_553 = vector.shape_cast %broadcast_in_dim3A_552 : vector<16x1xi32> to vector<16xi32>
        %gather3A_554 = tpu.dynamic_gather %add3A_391[%gather3A_553] in [0] : vector<16xf32>, vector<16xi32> -> vector<16xf32>
        %add3A_555 = arith.addf %add3A_391, %gather3A_554 : vector<16xf32>
        %broadcast_in_dim3A_556 = vector.shape_cast %xor3A_18 : vector<16xi32> to vector<16x1xi32>
        %gather3A_557 = vector.shape_cast %broadcast_in_dim3A_556 : vector<16x1xi32> to vector<16xi32>
        %gather3A_558 = tpu.dynamic_gather %add3A_412[%gather3A_557] in [0] : vector<16xf32>, vector<16xi32> -> vector<16xf32>
        %add3A_559 = arith.addf %add3A_412, %gather3A_558 : vector<16xf32>
        %broadcast_in_dim3A_560 = vector.shape_cast %xor3A_18 : vector<16xi32> to vector<16x1xi32>
        %gather3A_561 = vector.shape_cast %broadcast_in_dim3A_560 : vector<16x1xi32> to vector<16xi32>
        %gather3A_562 = tpu.dynamic_gather %add3A_433[%gather3A_561] in [0] : vector<16xf32>, vector<16xi32> -> vector<16xf32>
        %add3A_563 = arith.addf %add3A_433, %gather3A_562 : vector<16xf32>
        %broadcast_in_dim3A_564 = vector.shape_cast %xor3A_18 : vector<16xi32> to vector<16x1xi32>
        %gather3A_565 = vector.shape_cast %broadcast_in_dim3A_564 : vector<16x1xi32> to vector<16xi32>
        %gather3A_566 = tpu.dynamic_gather %add3A_454[%gather3A_565] in [0] : vector<16xf32>, vector<16xi32> -> vector<16xf32>
        %add3A_567 = arith.addf %add3A_454, %gather3A_566 : vector<16xf32>
        %broadcast_in_dim3A_568 = vector.shape_cast %xor3A_18 : vector<16xi32> to vector<16x1xi32>
        %gather3A_569 = vector.shape_cast %broadcast_in_dim3A_568 : vector<16x1xi32> to vector<16xi32>
        %gather3A_570 = tpu.dynamic_gather %add3A_475[%gather3A_569] in [0] : vector<16xf32>, vector<16xi32> -> vector<16xf32>
        %add3A_571 = arith.addf %add3A_475, %gather3A_570 : vector<16xf32>
        %broadcast_in_dim3A_572 = vector.shape_cast %xor3A_18 : vector<16xi32> to vector<16x1xi32>
        %gather3A_573 = vector.shape_cast %broadcast_in_dim3A_572 : vector<16x1xi32> to vector<16xi32>
        %gather3A_574 = tpu.dynamic_gather %add3A_496[%gather3A_573] in [0] : vector<16xf32>, vector<16xi32> -> vector<16xf32>
        %add3A_575 = arith.addf %add3A_496, %gather3A_574 : vector<16xf32>
        %broadcast_in_dim3A_576 = vector.shape_cast %xor3A_18 : vector<16xi32> to vector<16x1xi32>
        %gather3A_577 = vector.shape_cast %broadcast_in_dim3A_576 : vector<16x1xi32> to vector<16xi32>
        %gather3A_578 = tpu.dynamic_gather %add3A_517[%gather3A_577] in [0] : vector<16xf32>, vector<16xi32> -> vector<16xf32>
        %add3A_579 = arith.addf %add3A_517, %gather3A_578 : vector<16xf32>
        %select_n3A = arith.select %ne3A_31, %add3A_523, %add3A_519 : vector<16xi1>, vector<16xf32>
        %select_n3A_580 = arith.select %ne3A_31, %add3A_531, %add3A_527 : vector<16xi1>, vector<16xf32>
        %select_n3A_581 = arith.select %ne3A_31, %add3A_539, %add3A_535 : vector<16xi1>, vector<16xf32>
        %select_n3A_582 = arith.select %ne3A_31, %add3A_547, %add3A_543 : vector<16xi1>, vector<16xf32>
        %select_n3A_583 = arith.select %ne3A_31, %add3A_555, %add3A_551 : vector<16xi1>, vector<16xf32>
        %select_n3A_584 = arith.select %ne3A_31, %add3A_563, %add3A_559 : vector<16xi1>, vector<16xf32>
        %select_n3A_585 = arith.select %ne3A_31, %add3A_571, %add3A_567 : vector<16xi1>, vector<16xf32>
        %select_n3A_586 = arith.select %ne3A_31, %add3A_579, %add3A_575 : vector<16xi1>, vector<16xf32>
        %broadcast_in_dim3A_587 = vector.shape_cast %xor3A_21 : vector<16xi32> to vector<16x1xi32>
        %gather3A_588 = vector.shape_cast %broadcast_in_dim3A_587 : vector<16x1xi32> to vector<16xi32>
        %gather3A_589 = tpu.dynamic_gather %select_n3A[%gather3A_588] in [0] : vector<16xf32>, vector<16xi32> -> vector<16xf32>
        %add3A_590 = arith.addf %select_n3A, %gather3A_589 : vector<16xf32>
        %broadcast_in_dim3A_591 = vector.shape_cast %xor3A_21 : vector<16xi32> to vector<16x1xi32>
        %gather3A_592 = vector.shape_cast %broadcast_in_dim3A_591 : vector<16x1xi32> to vector<16xi32>
        %gather3A_593 = tpu.dynamic_gather %select_n3A_580[%gather3A_592] in [0] : vector<16xf32>, vector<16xi32> -> vector<16xf32>
        %add3A_594 = arith.addf %select_n3A_580, %gather3A_593 : vector<16xf32>
        %broadcast_in_dim3A_595 = vector.shape_cast %xor3A_21 : vector<16xi32> to vector<16x1xi32>
        %gather3A_596 = vector.shape_cast %broadcast_in_dim3A_595 : vector<16x1xi32> to vector<16xi32>
        %gather3A_597 = tpu.dynamic_gather %select_n3A_581[%gather3A_596] in [0] : vector<16xf32>, vector<16xi32> -> vector<16xf32>
        %add3A_598 = arith.addf %select_n3A_581, %gather3A_597 : vector<16xf32>
        %broadcast_in_dim3A_599 = vector.shape_cast %xor3A_21 : vector<16xi32> to vector<16x1xi32>
        %gather3A_600 = vector.shape_cast %broadcast_in_dim3A_599 : vector<16x1xi32> to vector<16xi32>
        %gather3A_601 = tpu.dynamic_gather %select_n3A_582[%gather3A_600] in [0] : vector<16xf32>, vector<16xi32> -> vector<16xf32>
        %add3A_602 = arith.addf %select_n3A_582, %gather3A_601 : vector<16xf32>
        %broadcast_in_dim3A_603 = vector.shape_cast %xor3A_21 : vector<16xi32> to vector<16x1xi32>
        %gather3A_604 = vector.shape_cast %broadcast_in_dim3A_603 : vector<16x1xi32> to vector<16xi32>
        %gather3A_605 = tpu.dynamic_gather %select_n3A_583[%gather3A_604] in [0] : vector<16xf32>, vector<16xi32> -> vector<16xf32>
        %add3A_606 = arith.addf %select_n3A_583, %gather3A_605 : vector<16xf32>
        %broadcast_in_dim3A_607 = vector.shape_cast %xor3A_21 : vector<16xi32> to vector<16x1xi32>
        %gather3A_608 = vector.shape_cast %broadcast_in_dim3A_607 : vector<16x1xi32> to vector<16xi32>
        %gather3A_609 = tpu.dynamic_gather %select_n3A_584[%gather3A_608] in [0] : vector<16xf32>, vector<16xi32> -> vector<16xf32>
        %add3A_610 = arith.addf %select_n3A_584, %gather3A_609 : vector<16xf32>
        %broadcast_in_dim3A_611 = vector.shape_cast %xor3A_21 : vector<16xi32> to vector<16x1xi32>
        %gather3A_612 = vector.shape_cast %broadcast_in_dim3A_611 : vector<16x1xi32> to vector<16xi32>
        %gather3A_613 = tpu.dynamic_gather %select_n3A_585[%gather3A_612] in [0] : vector<16xf32>, vector<16xi32> -> vector<16xf32>
        %add3A_614 = arith.addf %select_n3A_585, %gather3A_613 : vector<16xf32>
        %broadcast_in_dim3A_615 = vector.shape_cast %xor3A_21 : vector<16xi32> to vector<16x1xi32>
        %gather3A_616 = vector.shape_cast %broadcast_in_dim3A_615 : vector<16x1xi32> to vector<16xi32>
        %gather3A_617 = tpu.dynamic_gather %select_n3A_586[%gather3A_616] in [0] : vector<16xf32>, vector<16xi32> -> vector<16xf32>
        %add3A_618 = arith.addf %select_n3A_586, %gather3A_617 : vector<16xf32>
        %select_n3A_619 = arith.select %ne3A_37, %add3A_594, %add3A_590 : vector<16xi1>, vector<16xf32>
        %select_n3A_620 = arith.select %ne3A_37, %add3A_602, %add3A_598 : vector<16xi1>, vector<16xf32>
        %select_n3A_621 = arith.select %ne3A_37, %add3A_610, %add3A_606 : vector<16xi1>, vector<16xf32>
        %select_n3A_622 = arith.select %ne3A_37, %add3A_618, %add3A_614 : vector<16xi1>, vector<16xf32>
        %broadcast_in_dim3A_623 = vector.shape_cast %xor3A_24 : vector<16xi32> to vector<16x1xi32>
        %gather3A_624 = vector.shape_cast %broadcast_in_dim3A_623 : vector<16x1xi32> to vector<16xi32>
        %gather3A_625 = tpu.dynamic_gather %select_n3A_619[%gather3A_624] in [0] : vector<16xf32>, vector<16xi32> -> vector<16xf32>
        %add3A_626 = arith.addf %select_n3A_619, %gather3A_625 : vector<16xf32>
        %broadcast_in_dim3A_627 = vector.shape_cast %xor3A_24 : vector<16xi32> to vector<16x1xi32>
        %gather3A_628 = vector.shape_cast %broadcast_in_dim3A_627 : vector<16x1xi32> to vector<16xi32>
        %gather3A_629 = tpu.dynamic_gather %select_n3A_620[%gather3A_628] in [0] : vector<16xf32>, vector<16xi32> -> vector<16xf32>
        %add3A_630 = arith.addf %select_n3A_620, %gather3A_629 : vector<16xf32>
        %broadcast_in_dim3A_631 = vector.shape_cast %xor3A_24 : vector<16xi32> to vector<16x1xi32>
        %gather3A_632 = vector.shape_cast %broadcast_in_dim3A_631 : vector<16x1xi32> to vector<16xi32>
        %gather3A_633 = tpu.dynamic_gather %select_n3A_621[%gather3A_632] in [0] : vector<16xf32>, vector<16xi32> -> vector<16xf32>
        %add3A_634 = arith.addf %select_n3A_621, %gather3A_633 : vector<16xf32>
        %broadcast_in_dim3A_635 = vector.shape_cast %xor3A_24 : vector<16xi32> to vector<16x1xi32>
        %gather3A_636 = vector.shape_cast %broadcast_in_dim3A_635 : vector<16x1xi32> to vector<16xi32>
        %gather3A_637 = tpu.dynamic_gather %select_n3A_622[%gather3A_636] in [0] : vector<16xf32>, vector<16xi32> -> vector<16xf32>
        %add3A_638 = arith.addf %select_n3A_622, %gather3A_637 : vector<16xf32>
        %select_n3A_639 = arith.select %ne3A_43, %add3A_630, %add3A_626 : vector<16xi1>, vector<16xf32>
        %select_n3A_640 = arith.select %ne3A_43, %add3A_638, %add3A_634 : vector<16xi1>, vector<16xf32>
        %broadcast_in_dim3A_641 = vector.shape_cast %xor3A_27 : vector<16xi32> to vector<16x1xi32>
        %gather3A_642 = vector.shape_cast %broadcast_in_dim3A_641 : vector<16x1xi32> to vector<16xi32>
        %gather3A_643 = tpu.dynamic_gather %select_n3A_639[%gather3A_642] in [0] : vector<16xf32>, vector<16xi32> -> vector<16xf32>
        %add3A_644 = arith.addf %select_n3A_639, %gather3A_643 : vector<16xf32>
        %broadcast_in_dim3A_645 = vector.shape_cast %xor3A_27 : vector<16xi32> to vector<16x1xi32>
        %gather3A_646 = vector.shape_cast %broadcast_in_dim3A_645 : vector<16x1xi32> to vector<16xi32>
        %gather3A_647 = tpu.dynamic_gather %select_n3A_640[%gather3A_646] in [0] : vector<16xf32>, vector<16xi32> -> vector<16xf32>
        %add3A_648 = arith.addf %select_n3A_640, %gather3A_647 : vector<16xf32>
        %select_n3A_649 = arith.select %ne3A_49, %add3A_648, %add3A_644 : vector<16xi1>, vector<16xf32>
        %swap3A = arith.index_cast %mul3A_81 : i32 to index
        %swap3A_650 = arith.index_cast %mul3A_181 : i32 to index
        %swap3A_651 = tpu.vector_load %arg15[%swap3A, %swap3A_650] {strides = array<i32>} : memref<128x208xf32, #tpu.memory_space<vmem>>, vector<16xf32>,
        tpu.vector_store %arg15[%swap3A, %swap3A_650], %select_n3A_649 {strides = array<i32>} : memref<128x208xf32, #tpu.memory_space<vmem>>, vector<16xf32>,
      }
      %scan3A_135 = arith.constant 13 : i32
      %add3A_136 = arith.constant 1 : i32
      %add3A_137 = arith.addi %add3A_83, %add3A_136 : i32
      %lt3A = arith.constant 128 : i32
      %lt3A_138 = arith.cmpi slt, %add3A_137, %lt3A : i32
      %convert_element_type3A = arith.extui %lt3A_138 : i1 to i32
      %cond3A = arith.constant 0 : i32
      %cond3A_139 = arith.cmpi ne, %convert_element_type3A, %cond3A : i32
      scf.if %cond3A_139 {
        %add3A_175 = arith.constant 1 : i32
        %add3A_176 = arith.addi %add3A_83, %add3A_175 : i32
        %dma_start3A_177 = arith.constant 0 : i32
        %dma_start3A_178 = arith.constant 0 : i32
        %dma_start3A_179 = tpu.memref_slice %arg13[%dma_start3A_177, %dma_start3A_178] : memref<208x64xf32, #tpu.memory_space<vmem>> -> memref<128x64xf32, #tpu.memory_space<vmem>>
        %dma_start3A_180 = arith.constant 0 : i32
        %dma_start3A_181 = tpu.memref_slice %arg10[%add3A_176, %dma_start3A_180] : memref<128x200xi32, #tpu.memory_space<vmem>> -> memref<1x128xi32, #tpu.memory_space<vmem>>
        %dma_start3A_182 = tpu.memref_squeeze %dma_start3A_181 : memref<1x128xi32, #tpu.memory_space<vmem>> -> memref<128xi32, #tpu.memory_space<vmem>>
        %dma_start3A_183 = arith.constant 0 : i32
        %dma_start3A_184 = arith.constant 0 : i32
        %dma_start3A_185 = tpu.memref_slice %arg2[%dma_start3A_183, %dma_start3A_184] : memref<1000001x64xf32, #tpu.memory_space<hbm>> -> memref<1000001x64xf32, #tpu.memory_space<hbm>>
        tpu.enqueue_indirect_dma source(%dma_start3A_185 : memref<1000001x64xf32, #tpu.memory_space<hbm>>) target(%dma_start3A_179 : memref<128x64xf32, #tpu.memory_space<vmem>>) offsets(%dma_start3A_182 : memref<128xi32, #tpu.memory_space<vmem>>) semaphore(%arg17 : memref<!tpu.dma_semaphore, #tpu.memory_space<semaphore_mem>>)
        %dma_start3A_186 = arith.constant 128 : i32
        %dma_start3A_187 = arith.constant 0 : i32
        %dma_start3A_188 = tpu.memref_slice %arg13[%dma_start3A_186, %dma_start3A_187] : memref<208x64xf32, #tpu.memory_space<vmem>> -> memref<72x64xf32, #tpu.memory_space<vmem>>
        %dma_start3A_189 = arith.constant 128 : i32
        %dma_start3A_190 = tpu.memref_slice %arg10[%add3A_176, %dma_start3A_189] : memref<128x200xi32, #tpu.memory_space<vmem>> -> memref<1x72xi32, #tpu.memory_space<vmem>>
        %dma_start3A_191 = tpu.memref_squeeze %dma_start3A_190 : memref<1x72xi32, #tpu.memory_space<vmem>> -> memref<72xi32, #tpu.memory_space<vmem>>
        %dma_start3A_192 = arith.constant 0 : i32
        %dma_start3A_193 = arith.constant 0 : i32
        %dma_start3A_194 = tpu.memref_slice %arg2[%dma_start3A_192, %dma_start3A_193] : memref<1000001x64xf32, #tpu.memory_space<hbm>> -> memref<1000001x64xf32, #tpu.memory_space<hbm>>
        tpu.enqueue_indirect_dma source(%dma_start3A_194 : memref<1000001x64xf32, #tpu.memory_space<hbm>>) target(%dma_start3A_188 : memref<72x64xf32, #tpu.memory_space<vmem>>) offsets(%dma_start3A_191 : memref<72xi32, #tpu.memory_space<vmem>>) semaphore(%arg18 : memref<!tpu.dma_semaphore, #tpu.memory_space<semaphore_mem>>)
      } else {
      }
      %dma_wait3A_140 = arith.constant 0 : i32
      %dma_wait3A_141 = arith.constant 0 : i32
      %dma_wait3A_142 = tpu.memref_slice %arg14[%dma_wait3A_140, %dma_wait3A_141] : memref<208x64xf32, #tpu.memory_space<vmem>> -> memref<128x64xf32, #tpu.memory_space<vmem>>
      %dma_wait3A_143 = arith.constant 0 : i32
      %dma_wait3A_144 = tpu.memref_slice %arg10[%add3A_83, %dma_wait3A_143] : memref<128x200xi32, #tpu.memory_space<vmem>> -> memref<1x128xi32, #tpu.memory_space<vmem>>
      %dma_wait3A_145 = tpu.memref_squeeze %dma_wait3A_144 : memref<1x128xi32, #tpu.memory_space<vmem>> -> memref<128xi32, #tpu.memory_space<vmem>>
      %dma_wait3A_146 = arith.constant 0 : i32
      %dma_wait3A_147 = arith.constant 0 : i32
      %dma_wait3A_148 = tpu.memref_slice %arg2[%dma_wait3A_146, %dma_wait3A_147] : memref<1000001x64xf32, #tpu.memory_space<hbm>> -> memref<1000001x64xf32, #tpu.memory_space<hbm>>
      tpu.wait_indirect_dma semaphore(%arg19 : memref<!tpu.dma_semaphore, #tpu.memory_space<semaphore_mem>>) src(%dma_wait3A_148 : memref<1000001x64xf32, #tpu.memory_space<hbm>>) dst(%dma_wait3A_142 : memref<128x64xf32, #tpu.memory_space<vmem>>)
      %dma_wait3A_149 = arith.constant 128 : i32
      %dma_wait3A_150 = arith.constant 0 : i32
      %dma_wait3A_151 = tpu.memref_slice %arg14[%dma_wait3A_149, %dma_wait3A_150] : memref<208x64xf32, #tpu.memory_space<vmem>> -> memref<72x64xf32, #tpu.memory_space<vmem>>
      %dma_wait3A_152 = arith.constant 128 : i32
      %dma_wait3A_153 = tpu.memref_slice %arg10[%add3A_83, %dma_wait3A_152] : memref<128x200xi32, #tpu.memory_space<vmem>> -> memref<1x72xi32, #tpu.memory_space<vmem>>
      %dma_wait3A_154 = tpu.memref_squeeze %dma_wait3A_153 : memref<1x72xi32, #tpu.memory_space<vmem>> -> memref<72xi32, #tpu.memory_space<vmem>>
      %dma_wait3A_155 = arith.constant 0 : i32
      %dma_wait3A_156 = arith.constant 0 : i32
      %dma_wait3A_157 = tpu.memref_slice %arg2[%dma_wait3A_155, %dma_wait3A_156] : memref<1000001x64xf32, #tpu.memory_space<hbm>> -> memref<1000001x64xf32, #tpu.memory_space<hbm>>
      tpu.wait_indirect_dma semaphore(%arg20 : memref<!tpu.dma_semaphore, #tpu.memory_space<semaphore_mem>>) src(%dma_wait3A_157 : memref<1000001x64xf32, #tpu.memory_space<hbm>>) dst(%dma_wait3A_151 : memref<72x64xf32, #tpu.memory_space<vmem>>)
      %get3A_158 = arith.index_cast %add3A_83 : i32 to index
      %get3A_159 = arith.constant 0 : index
      %get3A_160 = tpu.vector_load %arg11[%get3A_158, %get3A_159] {strides = array<i32>} : memref<128x64xf32, #tpu.memory_space<vmem>>, vector<16xf32>,
      %get3A_161 = arith.index_cast %add3A_83 : i32 to index
      %get3A_162 = arith.constant 16 : index
      %get3A_163 = tpu.vector_load %arg11[%get3A_161, %get3A_162] {strides = array<i32>} : memref<128x64xf32, #tpu.memory_space<vmem>>, vector<16xf32>,
      %get3A_164 = arith.index_cast %add3A_83 : i32 to index
      %get3A_165 = arith.constant 32 : index
      %get3A_166 = tpu.vector_load %arg11[%get3A_164, %get3A_165] {strides = array<i32>} : memref<128x64xf32, #tpu.memory_space<vmem>>, vector<16xf32>,
      %get3A_167 = arith.index_cast %add3A_83 : i32 to index
      %get3A_168 = arith.constant 48 : index
      %get3A_169 = tpu.vector_load %arg11[%get3A_167, %get3A_168] {strides = array<i32>} : memref<128x64xf32, #tpu.memory_space<vmem>>, vector<16xf32>,
      %scan3A_170 = arith.constant 0 : i32
      %scan3A_171 = arith.constant 13 : i32
      %scan3A_172 = arith.addi %scan3A_170, %scan3A_171 : i32
      %scan3A_173 = arith.constant 1 : i32
      scf.for %scan3A_175 = %scan3A_170 to %scan3A_172 step %scan3A_173  : i32 {
        %mul3A_176 = arith.constant 1 : i32
        %mul3A_177 = arith.muli %scan3A_175, %mul3A_176 : i32
        %add3A_178 = arith.constant 0 : i32
        %add3A_179 = arith.addi %add3A_178, %mul3A_177 : i32
        %mul3A_180 = arith.constant 16 : i32
        %mul3A_181 = arith.muli %add3A_179, %mul3A_180 : i32
        %add3A_182 = arith.constant 0 : i32
        %add3A_183 = arith.addi %mul3A_181, %add3A_182 : i32
        %get3A_184 = arith.index_cast %add3A_183 : i32 to index
        %get3A_185 = arith.constant 0 : index
        %get3A_186 = tpu.vector_load %arg14[%get3A_184, %get3A_185] {strides = array<i32>} : memref<208x64xf32, #tpu.memory_space<vmem>>, vector<16xf32>,
        %mul3A_187 = arith.mulf %get3A_186, %get3A_160 : vector<16xf32>
        %get3A_188 = arith.index_cast %add3A_183 : i32 to index
        %get3A_189 = arith.constant 16 : index
        %get3A_190 = tpu.vector_load %arg14[%get3A_188, %get3A_189] {strides = array<i32>} : memref<208x64xf32, #tpu.memory_space<vmem>>, vector<16xf32>,
        %mul3A_191 = arith.mulf %get3A_190, %get3A_163 : vector<16xf32>
        %add3A_192 = arith.addf %mul3A_187, %mul3A_191 : vector<16xf32>
        %get3A_193 = arith.index_cast %add3A_183 : i32 to index
        %get3A_194 = arith.constant 32 : index
        %get3A_195 = tpu.vector_load %arg14[%get3A_193, %get3A_194] {strides = array<i32>} : memref<208x64xf32, #tpu.memory_space<vmem>>, vector<16xf32>,
        %mul3A_196 = arith.mulf %get3A_195, %get3A_166 : vector<16xf32>
        %add3A_197 = arith.addf %add3A_192, %mul3A_196 : vector<16xf32>
        %get3A_198 = arith.index_cast %add3A_183 : i32 to index
        %get3A_199 = arith.constant 48 : index
        %get3A_200 = tpu.vector_load %arg14[%get3A_198, %get3A_199] {strides = array<i32>} : memref<208x64xf32, #tpu.memory_space<vmem>>, vector<16xf32>,
        %mul3A_201 = arith.mulf %get3A_200, %get3A_169 : vector<16xf32>
        %add3A_202 = arith.addf %add3A_197, %mul3A_201 : vector<16xf32>
        %add3A_203 = arith.constant 1 : i32
        %add3A_204 = arith.addi %mul3A_181, %add3A_203 : i32
        %get3A_205 = arith.index_cast %add3A_204 : i32 to index
        %get3A_206 = arith.constant 0 : index
        %get3A_207 = tpu.vector_load %arg14[%get3A_205, %get3A_206] {strides = array<i32>} : memref<208x64xf32, #tpu.memory_space<vmem>>, vector<16xf32>,
        %mul3A_208 = arith.mulf %get3A_207, %get3A_160 : vector<16xf32>
        %get3A_209 = arith.index_cast %add3A_204 : i32 to index
        %get3A_210 = arith.constant 16 : index
        %get3A_211 = tpu.vector_load %arg14[%get3A_209, %get3A_210] {strides = array<i32>} : memref<208x64xf32, #tpu.memory_space<vmem>>, vector<16xf32>,
        %mul3A_212 = arith.mulf %get3A_211, %get3A_163 : vector<16xf32>
        %add3A_213 = arith.addf %mul3A_208, %mul3A_212 : vector<16xf32>
        %get3A_214 = arith.index_cast %add3A_204 : i32 to index
        %get3A_215 = arith.constant 32 : index
        %get3A_216 = tpu.vector_load %arg14[%get3A_214, %get3A_215] {strides = array<i32>} : memref<208x64xf32, #tpu.memory_space<vmem>>, vector<16xf32>,
        %mul3A_217 = arith.mulf %get3A_216, %get3A_166 : vector<16xf32>
        %add3A_218 = arith.addf %add3A_213, %mul3A_217 : vector<16xf32>
        %get3A_219 = arith.index_cast %add3A_204 : i32 to index
        %get3A_220 = arith.constant 48 : index
        %get3A_221 = tpu.vector_load %arg14[%get3A_219, %get3A_220] {strides = array<i32>} : memref<208x64xf32, #tpu.memory_space<vmem>>, vector<16xf32>,
        %mul3A_222 = arith.mulf %get3A_221, %get3A_169 : vector<16xf32>
        %add3A_223 = arith.addf %add3A_218, %mul3A_222 : vector<16xf32>
        %add3A_224 = arith.constant 2 : i32
        %add3A_225 = arith.addi %mul3A_181, %add3A_224 : i32
        %get3A_226 = arith.index_cast %add3A_225 : i32 to index
        %get3A_227 = arith.constant 0 : index
        %get3A_228 = tpu.vector_load %arg14[%get3A_226, %get3A_227] {strides = array<i32>} : memref<208x64xf32, #tpu.memory_space<vmem>>, vector<16xf32>,
        %mul3A_229 = arith.mulf %get3A_228, %get3A_160 : vector<16xf32>
        %get3A_230 = arith.index_cast %add3A_225 : i32 to index
        %get3A_231 = arith.constant 16 : index
        %get3A_232 = tpu.vector_load %arg14[%get3A_230, %get3A_231] {strides = array<i32>} : memref<208x64xf32, #tpu.memory_space<vmem>>, vector<16xf32>,
        %mul3A_233 = arith.mulf %get3A_232, %get3A_163 : vector<16xf32>
        %add3A_234 = arith.addf %mul3A_229, %mul3A_233 : vector<16xf32>
        %get3A_235 = arith.index_cast %add3A_225 : i32 to index
        %get3A_236 = arith.constant 32 : index
        %get3A_237 = tpu.vector_load %arg14[%get3A_235, %get3A_236] {strides = array<i32>} : memref<208x64xf32, #tpu.memory_space<vmem>>, vector<16xf32>,
        %mul3A_238 = arith.mulf %get3A_237, %get3A_166 : vector<16xf32>
        %add3A_239 = arith.addf %add3A_234, %mul3A_238 : vector<16xf32>
        %get3A_240 = arith.index_cast %add3A_225 : i32 to index
        %get3A_241 = arith.constant 48 : index
        %get3A_242 = tpu.vector_load %arg14[%get3A_240, %get3A_241] {strides = array<i32>} : memref<208x64xf32, #tpu.memory_space<vmem>>, vector<16xf32>,
        %mul3A_243 = arith.mulf %get3A_242, %get3A_169 : vector<16xf32>
        %add3A_244 = arith.addf %add3A_239, %mul3A_243 : vector<16xf32>
        %add3A_245 = arith.constant 3 : i32
        %add3A_246 = arith.addi %mul3A_181, %add3A_245 : i32
        %get3A_247 = arith.index_cast %add3A_246 : i32 to index
        %get3A_248 = arith.constant 0 : index
        %get3A_249 = tpu.vector_load %arg14[%get3A_247, %get3A_248] {strides = array<i32>} : memref<208x64xf32, #tpu.memory_space<vmem>>, vector<16xf32>,
        %mul3A_250 = arith.mulf %get3A_249, %get3A_160 : vector<16xf32>
        %get3A_251 = arith.index_cast %add3A_246 : i32 to index
        %get3A_252 = arith.constant 16 : index
        %get3A_253 = tpu.vector_load %arg14[%get3A_251, %get3A_252] {strides = array<i32>} : memref<208x64xf32, #tpu.memory_space<vmem>>, vector<16xf32>,
        %mul3A_254 = arith.mulf %get3A_253, %get3A_163 : vector<16xf32>
        %add3A_255 = arith.addf %mul3A_250, %mul3A_254 : vector<16xf32>
        %get3A_256 = arith.index_cast %add3A_246 : i32 to index
        %get3A_257 = arith.constant 32 : index
        %get3A_258 = tpu.vector_load %arg14[%get3A_256, %get3A_257] {strides = array<i32>} : memref<208x64xf32, #tpu.memory_space<vmem>>, vector<16xf32>,
        %mul3A_259 = arith.mulf %get3A_258, %get3A_166 : vector<16xf32>
        %add3A_260 = arith.addf %add3A_255, %mul3A_259 : vector<16xf32>
        %get3A_261 = arith.index_cast %add3A_246 : i32 to index
        %get3A_262 = arith.constant 48 : index
        %get3A_263 = tpu.vector_load %arg14[%get3A_261, %get3A_262] {strides = array<i32>} : memref<208x64xf32, #tpu.memory_space<vmem>>, vector<16xf32>,
        %mul3A_264 = arith.mulf %get3A_263, %get3A_169 : vector<16xf32>
        %add3A_265 = arith.addf %add3A_260, %mul3A_264 : vector<16xf32>
        %add3A_266 = arith.constant 4 : i32
        %add3A_267 = arith.addi %mul3A_181, %add3A_266 : i32
        %get3A_268 = arith.index_cast %add3A_267 : i32 to index
        %get3A_269 = arith.constant 0 : index
        %get3A_270 = tpu.vector_load %arg14[%get3A_268, %get3A_269] {strides = array<i32>} : memref<208x64xf32, #tpu.memory_space<vmem>>, vector<16xf32>,
        %mul3A_271 = arith.mulf %get3A_270, %get3A_160 : vector<16xf32>
        %get3A_272 = arith.index_cast %add3A_267 : i32 to index
        %get3A_273 = arith.constant 16 : index
        %get3A_274 = tpu.vector_load %arg14[%get3A_272, %get3A_273] {strides = array<i32>} : memref<208x64xf32, #tpu.memory_space<vmem>>, vector<16xf32>,
        %mul3A_275 = arith.mulf %get3A_274, %get3A_163 : vector<16xf32>
        %add3A_276 = arith.addf %mul3A_271, %mul3A_275 : vector<16xf32>
        %get3A_277 = arith.index_cast %add3A_267 : i32 to index
        %get3A_278 = arith.constant 32 : index
        %get3A_279 = tpu.vector_load %arg14[%get3A_277, %get3A_278] {strides = array<i32>} : memref<208x64xf32, #tpu.memory_space<vmem>>, vector<16xf32>,
        %mul3A_280 = arith.mulf %get3A_279, %get3A_166 : vector<16xf32>
        %add3A_281 = arith.addf %add3A_276, %mul3A_280 : vector<16xf32>
        %get3A_282 = arith.index_cast %add3A_267 : i32 to index
        %get3A_283 = arith.constant 48 : index
        %get3A_284 = tpu.vector_load %arg14[%get3A_282, %get3A_283] {strides = array<i32>} : memref<208x64xf32, #tpu.memory_space<vmem>>, vector<16xf32>,
        %mul3A_285 = arith.mulf %get3A_284, %get3A_169 : vector<16xf32>
        %add3A_286 = arith.addf %add3A_281, %mul3A_285 : vector<16xf32>
        %add3A_287 = arith.constant 5 : i32
        %add3A_288 = arith.addi %mul3A_181, %add3A_287 : i32
        %get3A_289 = arith.index_cast %add3A_288 : i32 to index
        %get3A_290 = arith.constant 0 : index
        %get3A_291 = tpu.vector_load %arg14[%get3A_289, %get3A_290] {strides = array<i32>} : memref<208x64xf32, #tpu.memory_space<vmem>>, vector<16xf32>,
        %mul3A_292 = arith.mulf %get3A_291, %get3A_160 : vector<16xf32>
        %get3A_293 = arith.index_cast %add3A_288 : i32 to index
        %get3A_294 = arith.constant 16 : index
        %get3A_295 = tpu.vector_load %arg14[%get3A_293, %get3A_294] {strides = array<i32>} : memref<208x64xf32, #tpu.memory_space<vmem>>, vector<16xf32>,
        %mul3A_296 = arith.mulf %get3A_295, %get3A_163 : vector<16xf32>
        %add3A_297 = arith.addf %mul3A_292, %mul3A_296 : vector<16xf32>
        %get3A_298 = arith.index_cast %add3A_288 : i32 to index
        %get3A_299 = arith.constant 32 : index
        %get3A_300 = tpu.vector_load %arg14[%get3A_298, %get3A_299] {strides = array<i32>} : memref<208x64xf32, #tpu.memory_space<vmem>>, vector<16xf32>,
        %mul3A_301 = arith.mulf %get3A_300, %get3A_166 : vector<16xf32>
        %add3A_302 = arith.addf %add3A_297, %mul3A_301 : vector<16xf32>
        %get3A_303 = arith.index_cast %add3A_288 : i32 to index
        %get3A_304 = arith.constant 48 : index
        %get3A_305 = tpu.vector_load %arg14[%get3A_303, %get3A_304] {strides = array<i32>} : memref<208x64xf32, #tpu.memory_space<vmem>>, vector<16xf32>,
        %mul3A_306 = arith.mulf %get3A_305, %get3A_169 : vector<16xf32>
        %add3A_307 = arith.addf %add3A_302, %mul3A_306 : vector<16xf32>
        %add3A_308 = arith.constant 6 : i32
        %add3A_309 = arith.addi %mul3A_181, %add3A_308 : i32
        %get3A_310 = arith.index_cast %add3A_309 : i32 to index
        %get3A_311 = arith.constant 0 : index
        %get3A_312 = tpu.vector_load %arg14[%get3A_310, %get3A_311] {strides = array<i32>} : memref<208x64xf32, #tpu.memory_space<vmem>>, vector<16xf32>,
        %mul3A_313 = arith.mulf %get3A_312, %get3A_160 : vector<16xf32>
        %get3A_314 = arith.index_cast %add3A_309 : i32 to index
        %get3A_315 = arith.constant 16 : index
        %get3A_316 = tpu.vector_load %arg14[%get3A_314, %get3A_315] {strides = array<i32>} : memref<208x64xf32, #tpu.memory_space<vmem>>, vector<16xf32>,
        %mul3A_317 = arith.mulf %get3A_316, %get3A_163 : vector<16xf32>
        %add3A_318 = arith.addf %mul3A_313, %mul3A_317 : vector<16xf32>
        %get3A_319 = arith.index_cast %add3A_309 : i32 to index
        %get3A_320 = arith.constant 32 : index
        %get3A_321 = tpu.vector_load %arg14[%get3A_319, %get3A_320] {strides = array<i32>} : memref<208x64xf32, #tpu.memory_space<vmem>>, vector<16xf32>,
        %mul3A_322 = arith.mulf %get3A_321, %get3A_166 : vector<16xf32>
        %add3A_323 = arith.addf %add3A_318, %mul3A_322 : vector<16xf32>
        %get3A_324 = arith.index_cast %add3A_309 : i32 to index
        %get3A_325 = arith.constant 48 : index
        %get3A_326 = tpu.vector_load %arg14[%get3A_324, %get3A_325] {strides = array<i32>} : memref<208x64xf32, #tpu.memory_space<vmem>>, vector<16xf32>,
        %mul3A_327 = arith.mulf %get3A_326, %get3A_169 : vector<16xf32>
        %add3A_328 = arith.addf %add3A_323, %mul3A_327 : vector<16xf32>
        %add3A_329 = arith.constant 7 : i32
        %add3A_330 = arith.addi %mul3A_181, %add3A_329 : i32
        %get3A_331 = arith.index_cast %add3A_330 : i32 to index
        %get3A_332 = arith.constant 0 : index
        %get3A_333 = tpu.vector_load %arg14[%get3A_331, %get3A_332] {strides = array<i32>} : memref<208x64xf32, #tpu.memory_space<vmem>>, vector<16xf32>,
        %mul3A_334 = arith.mulf %get3A_333, %get3A_160 : vector<16xf32>
        %get3A_335 = arith.index_cast %add3A_330 : i32 to index
        %get3A_336 = arith.constant 16 : index
        %get3A_337 = tpu.vector_load %arg14[%get3A_335, %get3A_336] {strides = array<i32>} : memref<208x64xf32, #tpu.memory_space<vmem>>, vector<16xf32>,
        %mul3A_338 = arith.mulf %get3A_337, %get3A_163 : vector<16xf32>
        %add3A_339 = arith.addf %mul3A_334, %mul3A_338 : vector<16xf32>
        %get3A_340 = arith.index_cast %add3A_330 : i32 to index
        %get3A_341 = arith.constant 32 : index
        %get3A_342 = tpu.vector_load %arg14[%get3A_340, %get3A_341] {strides = array<i32>} : memref<208x64xf32, #tpu.memory_space<vmem>>, vector<16xf32>,
        %mul3A_343 = arith.mulf %get3A_342, %get3A_166 : vector<16xf32>
        %add3A_344 = arith.addf %add3A_339, %mul3A_343 : vector<16xf32>
        %get3A_345 = arith.index_cast %add3A_330 : i32 to index
        %get3A_346 = arith.constant 48 : index
        %get3A_347 = tpu.vector_load %arg14[%get3A_345, %get3A_346] {strides = array<i32>} : memref<208x64xf32, #tpu.memory_space<vmem>>, vector<16xf32>,
        %mul3A_348 = arith.mulf %get3A_347, %get3A_169 : vector<16xf32>
        %add3A_349 = arith.addf %add3A_344, %mul3A_348 : vector<16xf32>
        %add3A_350 = arith.constant 8 : i32
        %add3A_351 = arith.addi %mul3A_181, %add3A_350 : i32
        %get3A_352 = arith.index_cast %add3A_351 : i32 to index
        %get3A_353 = arith.constant 0 : index
        %get3A_354 = tpu.vector_load %arg14[%get3A_352, %get3A_353] {strides = array<i32>} : memref<208x64xf32, #tpu.memory_space<vmem>>, vector<16xf32>,
        %mul3A_355 = arith.mulf %get3A_354, %get3A_160 : vector<16xf32>
        %get3A_356 = arith.index_cast %add3A_351 : i32 to index
        %get3A_357 = arith.constant 16 : index
        %get3A_358 = tpu.vector_load %arg14[%get3A_356, %get3A_357] {strides = array<i32>} : memref<208x64xf32, #tpu.memory_space<vmem>>, vector<16xf32>,
        %mul3A_359 = arith.mulf %get3A_358, %get3A_163 : vector<16xf32>
        %add3A_360 = arith.addf %mul3A_355, %mul3A_359 : vector<16xf32>
        %get3A_361 = arith.index_cast %add3A_351 : i32 to index
        %get3A_362 = arith.constant 32 : index
        %get3A_363 = tpu.vector_load %arg14[%get3A_361, %get3A_362] {strides = array<i32>} : memref<208x64xf32, #tpu.memory_space<vmem>>, vector<16xf32>,
        %mul3A_364 = arith.mulf %get3A_363, %get3A_166 : vector<16xf32>
        %add3A_365 = arith.addf %add3A_360, %mul3A_364 : vector<16xf32>
        %get3A_366 = arith.index_cast %add3A_351 : i32 to index
        %get3A_367 = arith.constant 48 : index
        %get3A_368 = tpu.vector_load %arg14[%get3A_366, %get3A_367] {strides = array<i32>} : memref<208x64xf32, #tpu.memory_space<vmem>>, vector<16xf32>,
        %mul3A_369 = arith.mulf %get3A_368, %get3A_169 : vector<16xf32>
        %add3A_370 = arith.addf %add3A_365, %mul3A_369 : vector<16xf32>
        %add3A_371 = arith.constant 9 : i32
        %add3A_372 = arith.addi %mul3A_181, %add3A_371 : i32
        %get3A_373 = arith.index_cast %add3A_372 : i32 to index
        %get3A_374 = arith.constant 0 : index
        %get3A_375 = tpu.vector_load %arg14[%get3A_373, %get3A_374] {strides = array<i32>} : memref<208x64xf32, #tpu.memory_space<vmem>>, vector<16xf32>,
        %mul3A_376 = arith.mulf %get3A_375, %get3A_160 : vector<16xf32>
        %get3A_377 = arith.index_cast %add3A_372 : i32 to index
        %get3A_378 = arith.constant 16 : index
        %get3A_379 = tpu.vector_load %arg14[%get3A_377, %get3A_378] {strides = array<i32>} : memref<208x64xf32, #tpu.memory_space<vmem>>, vector<16xf32>,
        %mul3A_380 = arith.mulf %get3A_379, %get3A_163 : vector<16xf32>
        %add3A_381 = arith.addf %mul3A_376, %mul3A_380 : vector<16xf32>
        %get3A_382 = arith.index_cast %add3A_372 : i32 to index
        %get3A_383 = arith.constant 32 : index
        %get3A_384 = tpu.vector_load %arg14[%get3A_382, %get3A_383] {strides = array<i32>} : memref<208x64xf32, #tpu.memory_space<vmem>>, vector<16xf32>,
        %mul3A_385 = arith.mulf %get3A_384, %get3A_166 : vector<16xf32>
        %add3A_386 = arith.addf %add3A_381, %mul3A_385 : vector<16xf32>
        %get3A_387 = arith.index_cast %add3A_372 : i32 to index
        %get3A_388 = arith.constant 48 : index
        %get3A_389 = tpu.vector_load %arg14[%get3A_387, %get3A_388] {strides = array<i32>} : memref<208x64xf32, #tpu.memory_space<vmem>>, vector<16xf32>,
        %mul3A_390 = arith.mulf %get3A_389, %get3A_169 : vector<16xf32>
        %add3A_391 = arith.addf %add3A_386, %mul3A_390 : vector<16xf32>
        %add3A_392 = arith.constant 10 : i32
        %add3A_393 = arith.addi %mul3A_181, %add3A_392 : i32
        %get3A_394 = arith.index_cast %add3A_393 : i32 to index
        %get3A_395 = arith.constant 0 : index
        %get3A_396 = tpu.vector_load %arg14[%get3A_394, %get3A_395] {strides = array<i32>} : memref<208x64xf32, #tpu.memory_space<vmem>>, vector<16xf32>,
        %mul3A_397 = arith.mulf %get3A_396, %get3A_160 : vector<16xf32>
        %get3A_398 = arith.index_cast %add3A_393 : i32 to index
        %get3A_399 = arith.constant 16 : index
        %get3A_400 = tpu.vector_load %arg14[%get3A_398, %get3A_399] {strides = array<i32>} : memref<208x64xf32, #tpu.memory_space<vmem>>, vector<16xf32>,
        %mul3A_401 = arith.mulf %get3A_400, %get3A_163 : vector<16xf32>
        %add3A_402 = arith.addf %mul3A_397, %mul3A_401 : vector<16xf32>
        %get3A_403 = arith.index_cast %add3A_393 : i32 to index
        %get3A_404 = arith.constant 32 : index
        %get3A_405 = tpu.vector_load %arg14[%get3A_403, %get3A_404] {strides = array<i32>} : memref<208x64xf32, #tpu.memory_space<vmem>>, vector<16xf32>,
        %mul3A_406 = arith.mulf %get3A_405, %get3A_166 : vector<16xf32>
        %add3A_407 = arith.addf %add3A_402, %mul3A_406 : vector<16xf32>
        %get3A_408 = arith.index_cast %add3A_393 : i32 to index
        %get3A_409 = arith.constant 48 : index
        %get3A_410 = tpu.vector_load %arg14[%get3A_408, %get3A_409] {strides = array<i32>} : memref<208x64xf32, #tpu.memory_space<vmem>>, vector<16xf32>,
        %mul3A_411 = arith.mulf %get3A_410, %get3A_169 : vector<16xf32>
        %add3A_412 = arith.addf %add3A_407, %mul3A_411 : vector<16xf32>
        %add3A_413 = arith.constant 11 : i32
        %add3A_414 = arith.addi %mul3A_181, %add3A_413 : i32
        %get3A_415 = arith.index_cast %add3A_414 : i32 to index
        %get3A_416 = arith.constant 0 : index
        %get3A_417 = tpu.vector_load %arg14[%get3A_415, %get3A_416] {strides = array<i32>} : memref<208x64xf32, #tpu.memory_space<vmem>>, vector<16xf32>,
        %mul3A_418 = arith.mulf %get3A_417, %get3A_160 : vector<16xf32>
        %get3A_419 = arith.index_cast %add3A_414 : i32 to index
        %get3A_420 = arith.constant 16 : index
        %get3A_421 = tpu.vector_load %arg14[%get3A_419, %get3A_420] {strides = array<i32>} : memref<208x64xf32, #tpu.memory_space<vmem>>, vector<16xf32>,
        %mul3A_422 = arith.mulf %get3A_421, %get3A_163 : vector<16xf32>
        %add3A_423 = arith.addf %mul3A_418, %mul3A_422 : vector<16xf32>
        %get3A_424 = arith.index_cast %add3A_414 : i32 to index
        %get3A_425 = arith.constant 32 : index
        %get3A_426 = tpu.vector_load %arg14[%get3A_424, %get3A_425] {strides = array<i32>} : memref<208x64xf32, #tpu.memory_space<vmem>>, vector<16xf32>,
        %mul3A_427 = arith.mulf %get3A_426, %get3A_166 : vector<16xf32>
        %add3A_428 = arith.addf %add3A_423, %mul3A_427 : vector<16xf32>
        %get3A_429 = arith.index_cast %add3A_414 : i32 to index
        %get3A_430 = arith.constant 48 : index
        %get3A_431 = tpu.vector_load %arg14[%get3A_429, %get3A_430] {strides = array<i32>} : memref<208x64xf32, #tpu.memory_space<vmem>>, vector<16xf32>,
        %mul3A_432 = arith.mulf %get3A_431, %get3A_169 : vector<16xf32>
        %add3A_433 = arith.addf %add3A_428, %mul3A_432 : vector<16xf32>
        %add3A_434 = arith.constant 12 : i32
        %add3A_435 = arith.addi %mul3A_181, %add3A_434 : i32
        %get3A_436 = arith.index_cast %add3A_435 : i32 to index
        %get3A_437 = arith.constant 0 : index
        %get3A_438 = tpu.vector_load %arg14[%get3A_436, %get3A_437] {strides = array<i32>} : memref<208x64xf32, #tpu.memory_space<vmem>>, vector<16xf32>,
        %mul3A_439 = arith.mulf %get3A_438, %get3A_160 : vector<16xf32>
        %get3A_440 = arith.index_cast %add3A_435 : i32 to index
        %get3A_441 = arith.constant 16 : index
        %get3A_442 = tpu.vector_load %arg14[%get3A_440, %get3A_441] {strides = array<i32>} : memref<208x64xf32, #tpu.memory_space<vmem>>, vector<16xf32>,
        %mul3A_443 = arith.mulf %get3A_442, %get3A_163 : vector<16xf32>
        %add3A_444 = arith.addf %mul3A_439, %mul3A_443 : vector<16xf32>
        %get3A_445 = arith.index_cast %add3A_435 : i32 to index
        %get3A_446 = arith.constant 32 : index
        %get3A_447 = tpu.vector_load %arg14[%get3A_445, %get3A_446] {strides = array<i32>} : memref<208x64xf32, #tpu.memory_space<vmem>>, vector<16xf32>,
        %mul3A_448 = arith.mulf %get3A_447, %get3A_166 : vector<16xf32>
        %add3A_449 = arith.addf %add3A_444, %mul3A_448 : vector<16xf32>
        %get3A_450 = arith.index_cast %add3A_435 : i32 to index
        %get3A_451 = arith.constant 48 : index
        %get3A_452 = tpu.vector_load %arg14[%get3A_450, %get3A_451] {strides = array<i32>} : memref<208x64xf32, #tpu.memory_space<vmem>>, vector<16xf32>,
        %mul3A_453 = arith.mulf %get3A_452, %get3A_169 : vector<16xf32>
        %add3A_454 = arith.addf %add3A_449, %mul3A_453 : vector<16xf32>
        %add3A_455 = arith.constant 13 : i32
        %add3A_456 = arith.addi %mul3A_181, %add3A_455 : i32
        %get3A_457 = arith.index_cast %add3A_456 : i32 to index
        %get3A_458 = arith.constant 0 : index
        %get3A_459 = tpu.vector_load %arg14[%get3A_457, %get3A_458] {strides = array<i32>} : memref<208x64xf32, #tpu.memory_space<vmem>>, vector<16xf32>,
        %mul3A_460 = arith.mulf %get3A_459, %get3A_160 : vector<16xf32>
        %get3A_461 = arith.index_cast %add3A_456 : i32 to index
        %get3A_462 = arith.constant 16 : index
        %get3A_463 = tpu.vector_load %arg14[%get3A_461, %get3A_462] {strides = array<i32>} : memref<208x64xf32, #tpu.memory_space<vmem>>, vector<16xf32>,
        %mul3A_464 = arith.mulf %get3A_463, %get3A_163 : vector<16xf32>
        %add3A_465 = arith.addf %mul3A_460, %mul3A_464 : vector<16xf32>
        %get3A_466 = arith.index_cast %add3A_456 : i32 to index
        %get3A_467 = arith.constant 32 : index
        %get3A_468 = tpu.vector_load %arg14[%get3A_466, %get3A_467] {strides = array<i32>} : memref<208x64xf32, #tpu.memory_space<vmem>>, vector<16xf32>,
        %mul3A_469 = arith.mulf %get3A_468, %get3A_166 : vector<16xf32>
        %add3A_470 = arith.addf %add3A_465, %mul3A_469 : vector<16xf32>
        %get3A_471 = arith.index_cast %add3A_456 : i32 to index
        %get3A_472 = arith.constant 48 : index
        %get3A_473 = tpu.vector_load %arg14[%get3A_471, %get3A_472] {strides = array<i32>} : memref<208x64xf32, #tpu.memory_space<vmem>>, vector<16xf32>,
        %mul3A_474 = arith.mulf %get3A_473, %get3A_169 : vector<16xf32>
        %add3A_475 = arith.addf %add3A_470, %mul3A_474 : vector<16xf32>
        %add3A_476 = arith.constant 14 : i32
        %add3A_477 = arith.addi %mul3A_181, %add3A_476 : i32
        %get3A_478 = arith.index_cast %add3A_477 : i32 to index
        %get3A_479 = arith.constant 0 : index
        %get3A_480 = tpu.vector_load %arg14[%get3A_478, %get3A_479] {strides = array<i32>} : memref<208x64xf32, #tpu.memory_space<vmem>>, vector<16xf32>,
        %mul3A_481 = arith.mulf %get3A_480, %get3A_160 : vector<16xf32>
        %get3A_482 = arith.index_cast %add3A_477 : i32 to index
        %get3A_483 = arith.constant 16 : index
        %get3A_484 = tpu.vector_load %arg14[%get3A_482, %get3A_483] {strides = array<i32>} : memref<208x64xf32, #tpu.memory_space<vmem>>, vector<16xf32>,
        %mul3A_485 = arith.mulf %get3A_484, %get3A_163 : vector<16xf32>
        %add3A_486 = arith.addf %mul3A_481, %mul3A_485 : vector<16xf32>
        %get3A_487 = arith.index_cast %add3A_477 : i32 to index
        %get3A_488 = arith.constant 32 : index
        %get3A_489 = tpu.vector_load %arg14[%get3A_487, %get3A_488] {strides = array<i32>} : memref<208x64xf32, #tpu.memory_space<vmem>>, vector<16xf32>,
        %mul3A_490 = arith.mulf %get3A_489, %get3A_166 : vector<16xf32>
        %add3A_491 = arith.addf %add3A_486, %mul3A_490 : vector<16xf32>
        %get3A_492 = arith.index_cast %add3A_477 : i32 to index
        %get3A_493 = arith.constant 48 : index
        %get3A_494 = tpu.vector_load %arg14[%get3A_492, %get3A_493] {strides = array<i32>} : memref<208x64xf32, #tpu.memory_space<vmem>>, vector<16xf32>,
        %mul3A_495 = arith.mulf %get3A_494, %get3A_169 : vector<16xf32>
        %add3A_496 = arith.addf %add3A_491, %mul3A_495 : vector<16xf32>
        %add3A_497 = arith.constant 15 : i32
        %add3A_498 = arith.addi %mul3A_181, %add3A_497 : i32
        %get3A_499 = arith.index_cast %add3A_498 : i32 to index
        %get3A_500 = arith.constant 0 : index
        %get3A_501 = tpu.vector_load %arg14[%get3A_499, %get3A_500] {strides = array<i32>} : memref<208x64xf32, #tpu.memory_space<vmem>>, vector<16xf32>,
        %mul3A_502 = arith.mulf %get3A_501, %get3A_160 : vector<16xf32>
        %get3A_503 = arith.index_cast %add3A_498 : i32 to index
        %get3A_504 = arith.constant 16 : index
        %get3A_505 = tpu.vector_load %arg14[%get3A_503, %get3A_504] {strides = array<i32>} : memref<208x64xf32, #tpu.memory_space<vmem>>, vector<16xf32>,
        %mul3A_506 = arith.mulf %get3A_505, %get3A_163 : vector<16xf32>
        %add3A_507 = arith.addf %mul3A_502, %mul3A_506 : vector<16xf32>
        %get3A_508 = arith.index_cast %add3A_498 : i32 to index
        %get3A_509 = arith.constant 32 : index
        %get3A_510 = tpu.vector_load %arg14[%get3A_508, %get3A_509] {strides = array<i32>} : memref<208x64xf32, #tpu.memory_space<vmem>>, vector<16xf32>,
        %mul3A_511 = arith.mulf %get3A_510, %get3A_166 : vector<16xf32>
        %add3A_512 = arith.addf %add3A_507, %mul3A_511 : vector<16xf32>
        %get3A_513 = arith.index_cast %add3A_498 : i32 to index
        %get3A_514 = arith.constant 48 : index
        %get3A_515 = tpu.vector_load %arg14[%get3A_513, %get3A_514] {strides = array<i32>} : memref<208x64xf32, #tpu.memory_space<vmem>>, vector<16xf32>,
        %mul3A_516 = arith.mulf %get3A_515, %get3A_169 : vector<16xf32>
        %add3A_517 = arith.addf %add3A_512, %mul3A_516 : vector<16xf32>
        %broadcast_in_dim3A = vector.shape_cast %xor3A_18 : vector<16xi32> to vector<16x1xi32>
        %gather3A = vector.shape_cast %broadcast_in_dim3A : vector<16x1xi32> to vector<16xi32>
        %gather3A_518 = tpu.dynamic_gather %add3A_202[%gather3A] in [0] : vector<16xf32>, vector<16xi32> -> vector<16xf32>
        %add3A_519 = arith.addf %add3A_202, %gather3A_518 : vector<16xf32>
        %broadcast_in_dim3A_520 = vector.shape_cast %xor3A_18 : vector<16xi32> to vector<16x1xi32>
        %gather3A_521 = vector.shape_cast %broadcast_in_dim3A_520 : vector<16x1xi32> to vector<16xi32>
        %gather3A_522 = tpu.dynamic_gather %add3A_223[%gather3A_521] in [0] : vector<16xf32>, vector<16xi32> -> vector<16xf32>
        %add3A_523 = arith.addf %add3A_223, %gather3A_522 : vector<16xf32>
        %broadcast_in_dim3A_524 = vector.shape_cast %xor3A_18 : vector<16xi32> to vector<16x1xi32>
        %gather3A_525 = vector.shape_cast %broadcast_in_dim3A_524 : vector<16x1xi32> to vector<16xi32>
        %gather3A_526 = tpu.dynamic_gather %add3A_244[%gather3A_525] in [0] : vector<16xf32>, vector<16xi32> -> vector<16xf32>
        %add3A_527 = arith.addf %add3A_244, %gather3A_526 : vector<16xf32>
        %broadcast_in_dim3A_528 = vector.shape_cast %xor3A_18 : vector<16xi32> to vector<16x1xi32>
        %gather3A_529 = vector.shape_cast %broadcast_in_dim3A_528 : vector<16x1xi32> to vector<16xi32>
        %gather3A_530 = tpu.dynamic_gather %add3A_265[%gather3A_529] in [0] : vector<16xf32>, vector<16xi32> -> vector<16xf32>
        %add3A_531 = arith.addf %add3A_265, %gather3A_530 : vector<16xf32>
        %broadcast_in_dim3A_532 = vector.shape_cast %xor3A_18 : vector<16xi32> to vector<16x1xi32>
        %gather3A_533 = vector.shape_cast %broadcast_in_dim3A_532 : vector<16x1xi32> to vector<16xi32>
        %gather3A_534 = tpu.dynamic_gather %add3A_286[%gather3A_533] in [0] : vector<16xf32>, vector<16xi32> -> vector<16xf32>
        %add3A_535 = arith.addf %add3A_286, %gather3A_534 : vector<16xf32>
        %broadcast_in_dim3A_536 = vector.shape_cast %xor3A_18 : vector<16xi32> to vector<16x1xi32>
        %gather3A_537 = vector.shape_cast %broadcast_in_dim3A_536 : vector<16x1xi32> to vector<16xi32>
        %gather3A_538 = tpu.dynamic_gather %add3A_307[%gather3A_537] in [0] : vector<16xf32>, vector<16xi32> -> vector<16xf32>
        %add3A_539 = arith.addf %add3A_307, %gather3A_538 : vector<16xf32>
        %broadcast_in_dim3A_540 = vector.shape_cast %xor3A_18 : vector<16xi32> to vector<16x1xi32>
        %gather3A_541 = vector.shape_cast %broadcast_in_dim3A_540 : vector<16x1xi32> to vector<16xi32>
        %gather3A_542 = tpu.dynamic_gather %add3A_328[%gather3A_541] in [0] : vector<16xf32>, vector<16xi32> -> vector<16xf32>
        %add3A_543 = arith.addf %add3A_328, %gather3A_542 : vector<16xf32>
        %broadcast_in_dim3A_544 = vector.shape_cast %xor3A_18 : vector<16xi32> to vector<16x1xi32>
        %gather3A_545 = vector.shape_cast %broadcast_in_dim3A_544 : vector<16x1xi32> to vector<16xi32>
        %gather3A_546 = tpu.dynamic_gather %add3A_349[%gather3A_545] in [0] : vector<16xf32>, vector<16xi32> -> vector<16xf32>
        %add3A_547 = arith.addf %add3A_349, %gather3A_546 : vector<16xf32>
        %broadcast_in_dim3A_548 = vector.shape_cast %xor3A_18 : vector<16xi32> to vector<16x1xi32>
        %gather3A_549 = vector.shape_cast %broadcast_in_dim3A_548 : vector<16x1xi32> to vector<16xi32>
        %gather3A_550 = tpu.dynamic_gather %add3A_370[%gather3A_549] in [0] : vector<16xf32>, vector<16xi32> -> vector<16xf32>
        %add3A_551 = arith.addf %add3A_370, %gather3A_550 : vector<16xf32>
        %broadcast_in_dim3A_552 = vector.shape_cast %xor3A_18 : vector<16xi32> to vector<16x1xi32>
        %gather3A_553 = vector.shape_cast %broadcast_in_dim3A_552 : vector<16x1xi32> to vector<16xi32>
        %gather3A_554 = tpu.dynamic_gather %add3A_391[%gather3A_553] in [0] : vector<16xf32>, vector<16xi32> -> vector<16xf32>
        %add3A_555 = arith.addf %add3A_391, %gather3A_554 : vector<16xf32>
        %broadcast_in_dim3A_556 = vector.shape_cast %xor3A_18 : vector<16xi32> to vector<16x1xi32>
        %gather3A_557 = vector.shape_cast %broadcast_in_dim3A_556 : vector<16x1xi32> to vector<16xi32>
        %gather3A_558 = tpu.dynamic_gather %add3A_412[%gather3A_557] in [0] : vector<16xf32>, vector<16xi32> -> vector<16xf32>
        %add3A_559 = arith.addf %add3A_412, %gather3A_558 : vector<16xf32>
        %broadcast_in_dim3A_560 = vector.shape_cast %xor3A_18 : vector<16xi32> to vector<16x1xi32>
        %gather3A_561 = vector.shape_cast %broadcast_in_dim3A_560 : vector<16x1xi32> to vector<16xi32>
        %gather3A_562 = tpu.dynamic_gather %add3A_433[%gather3A_561] in [0] : vector<16xf32>, vector<16xi32> -> vector<16xf32>
        %add3A_563 = arith.addf %add3A_433, %gather3A_562 : vector<16xf32>
        %broadcast_in_dim3A_564 = vector.shape_cast %xor3A_18 : vector<16xi32> to vector<16x1xi32>
        %gather3A_565 = vector.shape_cast %broadcast_in_dim3A_564 : vector<16x1xi32> to vector<16xi32>
        %gather3A_566 = tpu.dynamic_gather %add3A_454[%gather3A_565] in [0] : vector<16xf32>, vector<16xi32> -> vector<16xf32>
        %add3A_567 = arith.addf %add3A_454, %gather3A_566 : vector<16xf32>
        %broadcast_in_dim3A_568 = vector.shape_cast %xor3A_18 : vector<16xi32> to vector<16x1xi32>
        %gather3A_569 = vector.shape_cast %broadcast_in_dim3A_568 : vector<16x1xi32> to vector<16xi32>
        %gather3A_570 = tpu.dynamic_gather %add3A_475[%gather3A_569] in [0] : vector<16xf32>, vector<16xi32> -> vector<16xf32>
        %add3A_571 = arith.addf %add3A_475, %gather3A_570 : vector<16xf32>
        %broadcast_in_dim3A_572 = vector.shape_cast %xor3A_18 : vector<16xi32> to vector<16x1xi32>
        %gather3A_573 = vector.shape_cast %broadcast_in_dim3A_572 : vector<16x1xi32> to vector<16xi32>
        %gather3A_574 = tpu.dynamic_gather %add3A_496[%gather3A_573] in [0] : vector<16xf32>, vector<16xi32> -> vector<16xf32>
        %add3A_575 = arith.addf %add3A_496, %gather3A_574 : vector<16xf32>
        %broadcast_in_dim3A_576 = vector.shape_cast %xor3A_18 : vector<16xi32> to vector<16x1xi32>
        %gather3A_577 = vector.shape_cast %broadcast_in_dim3A_576 : vector<16x1xi32> to vector<16xi32>
        %gather3A_578 = tpu.dynamic_gather %add3A_517[%gather3A_577] in [0] : vector<16xf32>, vector<16xi32> -> vector<16xf32>
        %add3A_579 = arith.addf %add3A_517, %gather3A_578 : vector<16xf32>
        %select_n3A = arith.select %ne3A_31, %add3A_523, %add3A_519 : vector<16xi1>, vector<16xf32>
        %select_n3A_580 = arith.select %ne3A_31, %add3A_531, %add3A_527 : vector<16xi1>, vector<16xf32>
        %select_n3A_581 = arith.select %ne3A_31, %add3A_539, %add3A_535 : vector<16xi1>, vector<16xf32>
        %select_n3A_582 = arith.select %ne3A_31, %add3A_547, %add3A_543 : vector<16xi1>, vector<16xf32>
        %select_n3A_583 = arith.select %ne3A_31, %add3A_555, %add3A_551 : vector<16xi1>, vector<16xf32>
        %select_n3A_584 = arith.select %ne3A_31, %add3A_563, %add3A_559 : vector<16xi1>, vector<16xf32>
        %select_n3A_585 = arith.select %ne3A_31, %add3A_571, %add3A_567 : vector<16xi1>, vector<16xf32>
        %select_n3A_586 = arith.select %ne3A_31, %add3A_579, %add3A_575 : vector<16xi1>, vector<16xf32>
        %broadcast_in_dim3A_587 = vector.shape_cast %xor3A_21 : vector<16xi32> to vector<16x1xi32>
        %gather3A_588 = vector.shape_cast %broadcast_in_dim3A_587 : vector<16x1xi32> to vector<16xi32>
        %gather3A_589 = tpu.dynamic_gather %select_n3A[%gather3A_588] in [0] : vector<16xf32>, vector<16xi32> -> vector<16xf32>
        %add3A_590 = arith.addf %select_n3A, %gather3A_589 : vector<16xf32>
        %broadcast_in_dim3A_591 = vector.shape_cast %xor3A_21 : vector<16xi32> to vector<16x1xi32>
        %gather3A_592 = vector.shape_cast %broadcast_in_dim3A_591 : vector<16x1xi32> to vector<16xi32>
        %gather3A_593 = tpu.dynamic_gather %select_n3A_580[%gather3A_592] in [0] : vector<16xf32>, vector<16xi32> -> vector<16xf32>
        %add3A_594 = arith.addf %select_n3A_580, %gather3A_593 : vector<16xf32>
        %broadcast_in_dim3A_595 = vector.shape_cast %xor3A_21 : vector<16xi32> to vector<16x1xi32>
        %gather3A_596 = vector.shape_cast %broadcast_in_dim3A_595 : vector<16x1xi32> to vector<16xi32>
        %gather3A_597 = tpu.dynamic_gather %select_n3A_581[%gather3A_596] in [0] : vector<16xf32>, vector<16xi32> -> vector<16xf32>
        %add3A_598 = arith.addf %select_n3A_581, %gather3A_597 : vector<16xf32>
        %broadcast_in_dim3A_599 = vector.shape_cast %xor3A_21 : vector<16xi32> to vector<16x1xi32>
        %gather3A_600 = vector.shape_cast %broadcast_in_dim3A_599 : vector<16x1xi32> to vector<16xi32>
        %gather3A_601 = tpu.dynamic_gather %select_n3A_582[%gather3A_600] in [0] : vector<16xf32>, vector<16xi32> -> vector<16xf32>
        %add3A_602 = arith.addf %select_n3A_582, %gather3A_601 : vector<16xf32>
        %broadcast_in_dim3A_603 = vector.shape_cast %xor3A_21 : vector<16xi32> to vector<16x1xi32>
        %gather3A_604 = vector.shape_cast %broadcast_in_dim3A_603 : vector<16x1xi32> to vector<16xi32>
        %gather3A_605 = tpu.dynamic_gather %select_n3A_583[%gather3A_604] in [0] : vector<16xf32>, vector<16xi32> -> vector<16xf32>
        %add3A_606 = arith.addf %select_n3A_583, %gather3A_605 : vector<16xf32>
        %broadcast_in_dim3A_607 = vector.shape_cast %xor3A_21 : vector<16xi32> to vector<16x1xi32>
        %gather3A_608 = vector.shape_cast %broadcast_in_dim3A_607 : vector<16x1xi32> to vector<16xi32>
        %gather3A_609 = tpu.dynamic_gather %select_n3A_584[%gather3A_608] in [0] : vector<16xf32>, vector<16xi32> -> vector<16xf32>
        %add3A_610 = arith.addf %select_n3A_584, %gather3A_609 : vector<16xf32>
        %broadcast_in_dim3A_611 = vector.shape_cast %xor3A_21 : vector<16xi32> to vector<16x1xi32>
        %gather3A_612 = vector.shape_cast %broadcast_in_dim3A_611 : vector<16x1xi32> to vector<16xi32>
        %gather3A_613 = tpu.dynamic_gather %select_n3A_585[%gather3A_612] in [0] : vector<16xf32>, vector<16xi32> -> vector<16xf32>
        %add3A_614 = arith.addf %select_n3A_585, %gather3A_613 : vector<16xf32>
        %broadcast_in_dim3A_615 = vector.shape_cast %xor3A_21 : vector<16xi32> to vector<16x1xi32>
        %gather3A_616 = vector.shape_cast %broadcast_in_dim3A_615 : vector<16x1xi32> to vector<16xi32>
        %gather3A_617 = tpu.dynamic_gather %select_n3A_586[%gather3A_616] in [0] : vector<16xf32>, vector<16xi32> -> vector<16xf32>
        %add3A_618 = arith.addf %select_n3A_586, %gather3A_617 : vector<16xf32>
        %select_n3A_619 = arith.select %ne3A_37, %add3A_594, %add3A_590 : vector<16xi1>, vector<16xf32>
        %select_n3A_620 = arith.select %ne3A_37, %add3A_602, %add3A_598 : vector<16xi1>, vector<16xf32>
        %select_n3A_621 = arith.select %ne3A_37, %add3A_610, %add3A_606 : vector<16xi1>, vector<16xf32>
        %select_n3A_622 = arith.select %ne3A_37, %add3A_618, %add3A_614 : vector<16xi1>, vector<16xf32>
        %broadcast_in_dim3A_623 = vector.shape_cast %xor3A_24 : vector<16xi32> to vector<16x1xi32>
        %gather3A_624 = vector.shape_cast %broadcast_in_dim3A_623 : vector<16x1xi32> to vector<16xi32>
        %gather3A_625 = tpu.dynamic_gather %select_n3A_619[%gather3A_624] in [0] : vector<16xf32>, vector<16xi32> -> vector<16xf32>
        %add3A_626 = arith.addf %select_n3A_619, %gather3A_625 : vector<16xf32>
        %broadcast_in_dim3A_627 = vector.shape_cast %xor3A_24 : vector<16xi32> to vector<16x1xi32>
        %gather3A_628 = vector.shape_cast %broadcast_in_dim3A_627 : vector<16x1xi32> to vector<16xi32>
        %gather3A_629 = tpu.dynamic_gather %select_n3A_620[%gather3A_628] in [0] : vector<16xf32>, vector<16xi32> -> vector<16xf32>
        %add3A_630 = arith.addf %select_n3A_620, %gather3A_629 : vector<16xf32>
        %broadcast_in_dim3A_631 = vector.shape_cast %xor3A_24 : vector<16xi32> to vector<16x1xi32>
        %gather3A_632 = vector.shape_cast %broadcast_in_dim3A_631 : vector<16x1xi32> to vector<16xi32>
        %gather3A_633 = tpu.dynamic_gather %select_n3A_621[%gather3A_632] in [0] : vector<16xf32>, vector<16xi32> -> vector<16xf32>
        %add3A_634 = arith.addf %select_n3A_621, %gather3A_633 : vector<16xf32>
        %broadcast_in_dim3A_635 = vector.shape_cast %xor3A_24 : vector<16xi32> to vector<16x1xi32>
        %gather3A_636 = vector.shape_cast %broadcast_in_dim3A_635 : vector<16x1xi32> to vector<16xi32>
        %gather3A_637 = tpu.dynamic_gather %select_n3A_622[%gather3A_636] in [0] : vector<16xf32>, vector<16xi32> -> vector<16xf32>
        %add3A_638 = arith.addf %select_n3A_622, %gather3A_637 : vector<16xf32>
        %select_n3A_639 = arith.select %ne3A_43, %add3A_630, %add3A_626 : vector<16xi1>, vector<16xf32>
        %select_n3A_640 = arith.select %ne3A_43, %add3A_638, %add3A_634 : vector<16xi1>, vector<16xf32>
        %broadcast_in_dim3A_641 = vector.shape_cast %xor3A_27 : vector<16xi32> to vector<16x1xi32>
        %gather3A_642 = vector.shape_cast %broadcast_in_dim3A_641 : vector<16x1xi32> to vector<16xi32>
        %gather3A_643 = tpu.dynamic_gather %select_n3A_639[%gather3A_642] in [0] : vector<16xf32>, vector<16xi32> -> vector<16xf32>
        %add3A_644 = arith.addf %select_n3A_639, %gather3A_643 : vector<16xf32>
        %broadcast_in_dim3A_645 = vector.shape_cast %xor3A_27 : vector<16xi32> to vector<16x1xi32>
        %gather3A_646 = vector.shape_cast %broadcast_in_dim3A_645 : vector<16x1xi32> to vector<16xi32>
        %gather3A_647 = tpu.dynamic_gather %select_n3A_640[%gather3A_646] in [0] : vector<16xf32>, vector<16xi32> -> vector<16xf32>
        %add3A_648 = arith.addf %select_n3A_640, %gather3A_647 : vector<16xf32>
        %select_n3A_649 = arith.select %ne3A_49, %add3A_648, %add3A_644 : vector<16xi1>, vector<16xf32>
        %swap3A = arith.index_cast %add3A_83 : i32 to index
        %swap3A_650 = arith.index_cast %mul3A_181 : i32 to index
        %swap3A_651 = tpu.vector_load %arg15[%swap3A, %swap3A_650] {strides = array<i32>} : memref<128x208xf32, #tpu.memory_space<vmem>>, vector<16xf32>,
        tpu.vector_store %arg15[%swap3A, %swap3A_650], %select_n3A_649 {strides = array<i32>} : memref<128x208xf32, #tpu.memory_space<vmem>>, vector<16xf32>,
      }
      %scan3A_174 = arith.constant 13 : i32
    }
    %scan3A_74 = arith.constant 64 : i32
    "tpu.region"() ({
      %run_scoped3A = tpu.sem_alloc : memref<!tpu.dma_semaphore, #tpu.memory_space<semaphore_mem>>
      %dma_start3A_75 = arith.constant 0 : i32
      %dma_start3A_76 = arith.constant 0 : i32
      %dma_start3A_77 = tpu.memref_slice %arg15[%dma_start3A_75, %dma_start3A_76] : memref<128x208xf32, #tpu.memory_space<vmem>> -> memref<128x200xf32, #tpu.memory_space<vmem>>
      %dma_start3A_78 = arith.constant 0 : i32
      %dma_start3A_79 = tpu.memref_slice %arg7[%mul3A_2, %dma_start3A_78] : memref<4096x200xf32, #tpu.memory_space<hbm>> -> memref<128x200xf32, #tpu.memory_space<hbm>>
      %dma_start3A_80 = arith.constant 0 : i32
      %dma_start3A_81 = tpu.memref_slice %arg7[%mul3A_2, %dma_start3A_80] : memref<4096x200xf32, #tpu.memory_space<hbm>> -> memref<128x200xf32, #tpu.memory_space<hbm>>
      %dma_start3A_82 = arith.constant 0 : i32
      %dma_start3A_83 = arith.constant 0 : i32
      %dma_start3A_84 = tpu.memref_slice %arg15[%dma_start3A_82, %dma_start3A_83] : memref<128x208xf32, #tpu.memory_space<vmem>> -> memref<128x200xf32, #tpu.memory_space<vmem>>
      tpu.enqueue_dma source(%dma_start3A_84 : memref<128x200xf32, #tpu.memory_space<vmem>>) target(%dma_start3A_81 : memref<128x200xf32, #tpu.memory_space<hbm>>) target_semaphore(%run_scoped3A : memref<!tpu.dma_semaphore, #tpu.memory_space<semaphore_mem>>)
      %dma_wait3A_85 = arith.constant 0 : i32
      %dma_wait3A_86 = arith.constant 0 : i32
      %dma_wait3A_87 = tpu.memref_slice %arg15[%dma_wait3A_85, %dma_wait3A_86] : memref<128x208xf32, #tpu.memory_space<vmem>> -> memref<128x200xf32, #tpu.memory_space<vmem>>
      %dma_wait3A_88 = arith.constant 0 : i32
      %dma_wait3A_89 = tpu.memref_slice %arg7[%mul3A_2, %dma_wait3A_88] : memref<4096x200xf32, #tpu.memory_space<hbm>> -> memref<128x200xf32, #tpu.memory_space<hbm>>
      %dma_wait3A_90 = arith.constant 0 : i32
      %dma_wait3A_91 = tpu.memref_slice %arg7[%mul3A_2, %dma_wait3A_90] : memref<4096x200xf32, #tpu.memory_space<hbm>> -> memref<128x200xf32, #tpu.memory_space<hbm>>
      %dma_wait3A_92 = arith.constant 0 : i32
      %dma_wait3A_93 = arith.constant 0 : i32
      %dma_wait3A_94 = tpu.memref_slice %arg15[%dma_wait3A_92, %dma_wait3A_93] : memref<128x208xf32, #tpu.memory_space<vmem>> -> memref<128x200xf32, #tpu.memory_space<vmem>>
      tpu.wait_dma2 semaphore(%run_scoped3A : memref<!tpu.dma_semaphore, #tpu.memory_space<semaphore_mem>>) src(%dma_wait3A_94 : memref<128x200xf32, #tpu.memory_space<vmem>>) dst(%dma_wait3A_91 : memref<128x200xf32, #tpu.memory_space<hbm>>)
      tpu.yield
    }) : () -> ()
    return
  }
}

</mosaic_0001>

<sc_bundles>
// kernel: kernel.3.cloned.1.call-start
scs
__scs_entry_jumppad:
0x0: {  	(pc) =	sbr.rel $0x88, $3  }
0x1: {  	(tag) =	ssettag $0x0;
	lr =	simm.s32 $0x1  }
0x2: {  	[smem:$0x3F9C] =	sst lr;
	_ =	strace $0xD0000000  }
0x3: {  	_ = 	snop  }
0x4: {  	_ = 	snop  }
0x5: {  	_ = 	snop  }
0x6: {  	_ = 	snop  }
0x7: {  	_ = 	snop  }
__scs_overlays_trampoline_lowered:
0x8: {  	[smem:$0x3FAB] =	sst s0  }
0x9: {  	[smem:$0x3FAC] =	sst s1  }
0xa: {  	[smem:$0x3FAD] =	sst s2  }
0xb: {  	[smem:$0x3FAE] =	sst s3  }
0xc: {  	[smem:$0x3FAF] =	sst s4  }
0xd: {  	[smem:$0x3FB0] =	sst s5  }
0xe: {  	[smem:$0x3FB1] =	sst s6  }
0xf: {  	[smem:$0x3FB2] =	sst s7  }
0x10: {  	[smem:$0x3FB3] =	sst s8  }
0x11: {  	[smem:$0x3FB4] =	sst s9;
	s0 =	simm.s32 @!p0 $0x0  }
0x12: {  	s1 =	sld [smem:$0x3F9A];
	s0 =	simm.s32 @p0 $0x1  }
0x13: {  	[smem:$0x3FB5] =	sst s0;
	s0 =	simm.s32 @!p1 $0x0  }
0x14: {  	s2 =	sld [smem:$0x3F99];
	s0 =	simm.s32 @p1 $0x1  }
0x15: {  	[smem:$0x3FB6] =	sst s0;
	s0 =	simm.s32 @!p2 $0x0  }
0x16: {  	s3 =	sld [smem:$0x3FDB];
	s0 =	simm.s32 @p2 $0x1  }
0x17: {  	s4 =	simm.s32 $0x1BF5;
	[smem:$0x3FB8] =	sst s0  }
0x18: {  	s0 =	sld [smem:$0x3F9B];
	_ =	swait.ge [sflag:s4], $0x0  }
0x19: {  	s7 =	sld [smem:$0x3F9C]  }
0x1a: {  	s8 =	sadd.s32 $0xFFFFE003, lr  }
0x1b: {  	s9 =	sadd.s32 $0xFFFFFEF7, lr;
	s5 =	simm.s32 $0xFFFFFFFF;
	p2 =	slt.u32 s8, $0xFFFFF086  }
0x1c: {  	p1 =	slt.u32 s9, $0xF7A;
	s5 =	simm.s32 @!p2 $0x0  }
0x1d: {  	s5 =	simm.s32 @p1 $0x1;
	p0 =	seq.s32 s7, s2  }
0x1e: {  	s7 =	smul.u32 @!p0 $0xF7A, s2;
	p2 =	seq.s32 @!p0 s5, $0x0  }
0x1f: {  	s9 =	smul.u32 $0xF7A, s1;
	s8 =	simm.s32 @!p0 $0x1BF5;
	p2 =	por !p2, p0  }
0x20: {  	[sflag:s8] =	ssyncset.s32 @!p0 $0xFFFFF086;
	s6 =	sadd.s32 @!p0 s3, s7;
	s7 =	simm.s32 @!p0 $0x108  }
0x21: {  	s3 =	sadd.s32 s3, s9;
	s6 =	sadd.s32 @!p0 $0x88, s6;
	s7 =	simm.s32 @p2 $0x1082  }
0x22: {  	[simem:s7], [sflag:s8] =	dma.local @!p0 [hbm:s6], $0xF7A  }
0x23: {  	s9 =	sor.u32 $0xD0000000, s2;
	s6 =	simm.s32 $0x108;
	_ =	swait.ge @!p0 [sflag:s8], $0x0  }
0x24: {  	s3 =	sadd.s32 $0x88, s3;
	s6 =	simm.s32 @!p1 $0x1082;
	[sflag:s4] =	ssyncset.s32 $0xFFFFF086  }
0x25: {  	[simem:s6], [sflag:s4] =	dma.local [hbm:s3], $0xF7A  }
0x26: {  	[smem:$0x3F9C] =	sst s1;
	(tag) =	ssettag s2;
	_ =	strace s9  }
0x27: {  	s1 =	sld [smem:$0x3FAC]  }
0x28: {  	s2 =	sld [smem:$0x3FAD]  }
0x29: {  	s4 =	sld [smem:$0x3FAF]  }
0x2a: {  	p0 =	seq.s32 s5, $0x0;
	s5 =	sld [smem:$0x3FB0]  }
0x2b: {  	s6 =	sld [smem:$0x3FB1]  }
0x2c: {  	s7 =	sld [smem:$0x3FB2]  }
0x2d: {  	s3 =	simm.s32 $0x108;
	s8 =	sld [smem:$0x3FB3]  }
0x2e: {  	s3 =	simm.s32 @!p0 $0x1082;
	s9 =	sld [smem:$0x3FB4]  }
0x2f: {  	lr =	sadd.s32 s0, s3;
	s0 =	sld [smem:$0x3FAB]  }
0x30: {  	s3 =	sld [smem:$0x3FAE]  }
0x31: {  	[smem:$0x3FB7] =	sst s10  }
0x32: {  	s10 =	sld [smem:$0x3FB5];
	_ =	sdelay $0x3  }
0x33: {  	p0 =	seq.s32 s10, $0x1;
	s10 =	sld [smem:$0x3FB7];
	_ =	sdelay $0x3  }
0x34: {  	[smem:$0x3FB7] =	sst s10  }
0x35: {  	s10 =	sld [smem:$0x3FB6];
	_ =	sdelay $0x3  }
0x36: {  	p1 =	seq.s32 s10, $0x1;
	s10 =	sld [smem:$0x3FB7];
	_ =	sdelay $0x3  }
0x37: {  	[smem:$0x3FB7] =	sst s10  }
0x38: {  	s10 =	sld [smem:$0x3FB8]  }
0x39: {  	_ = 	snop;
	(pc) =	sbr.ind lr, $3  }
0x3a: {  	_ = 	snop  }
0x3b: {  	_ = 	snop  }
0x3c: {  	p2 =	seq.s32 s10, $0x1;
	s10 =	sld [smem:$0x3FB7]  }
0x3d: {  	_ =	shalt  }
0x3e: {  	_ =	shalt  }
0x3f: {  	_ =	shalt  }
0x40: {  	_ =	shalt  }
0x41: {  	_ =	shalt  }
0x42: {  	_ =	shalt  }
0x43: {  	_ =	shalt  }
0x44: {  	_ =	shalt  }
0x45: {  	_ =	shalt  }
0x46: {  	_ =	shalt  }
0x47: {  	_ =	shalt  }
0x48: {  	_ =	shalt  }
0x49: {  	_ =	shalt  }
0x4a: {  	_ =	shalt  }
0x4b: {  	_ =	shalt  }
0x4c: {  	_ =	shalt  }
0x4d: {  	_ =	shalt  }
0x4e: {  	_ =	shalt  }
0x4f: {  	_ =	shalt  }
0x50: {  	_ =	shalt  }
0x51: {  	_ =	shalt  }
0x52: {  	_ =	shalt  }
0x53: {  	_ =	shalt  }
0x54: {  	_ =	shalt  }
0x55: {  	_ =	shalt  }
0x56: {  	_ =	shalt  }
0x57: {  	_ =	shalt  }
0x58: {  	_ =	shalt  }
0x59: {  	_ =	shalt  }
0x5a: {  	_ =	shalt  }
0x5b: {  	_ =	shalt  }
0x5c: {  	_ =	shalt  }
0x5d: {  	_ =	shalt  }
0x5e: {  	_ =	shalt  }
0x5f: {  	_ =	shalt  }
0x60: {  	_ =	shalt  }
0x61: {  	_ =	shalt  }
0x62: {  	_ =	shalt  }
0x63: {  	_ =	shalt  }
0x64: {  	_ =	shalt  }
0x65: {  	_ =	shalt  }
0x66: {  	_ =	shalt  }
0x67: {  	_ =	shalt  }
0x68: {  	_ =	shalt  }
0x69: {  	_ =	shalt  }
0x6a: {  	_ =	shalt  }
0x6b: {  	_ =	shalt  }
0x6c: {  	_ =	shalt  }
0x6d: {  	_ =	shalt  }
0x6e: {  	_ =	shalt  }
0x6f: {  	_ =	shalt  }
0x70: {  	_ =	shalt  }
0x71: {  	_ =	shalt  }
0x72: {  	_ =	shalt  }
0x73: {  	_ =	shalt  }
0x74: {  	_ =	shalt  }
0x75: {  	_ =	shalt  }
0x76: {  	_ =	shalt  }
0x77: {  	_ =	shalt  }
0x78: {  	_ =	shalt  }
0x79: {  	_ =	shalt  }
0x7a: {  	_ =	shalt  }
0x7b: {  	_ =	shalt  }
0x7c: {  	_ =	shalt  }
0x7d: {  	_ =	shalt  }
0x7e: {  	_ =	shalt  }
0x7f: {  	_ =	shalt  }
0x80: {  	_ =	shalt  }
0x81: {  	_ =	shalt  }
0x82: {  	_ =	shalt  }
0x83: {  	_ =	shalt  }
0x84: {  	_ =	shalt  }
0x85: {  	_ =	shalt  }
0x86: {  	_ =	shalt  }
0x87: {  	_ =	shalt  }
.Lfunc_end0:
.L_simem_size_0:
called_computation_lowered:
.L_overlay_start_0:
0x88: {  	s2 =	sld [smem:$0x3FD9]  }
0x89: {  	s3 =	sld [smem:$0x3FFE];
	_ =	sdelay $0x1  }
0x8a: {  	s1 =	srdreg.scid  }
0x8b: {  	s0 =	sand.u32 $0x1, s1  }
0x8c: {  	s17 =	sshll.u32 s0, $0xA;
	s2 =	sadd.s32 s3, s2  }
0x8d: {  	s2 =	sadd.s32 s2, s17  }
0x8e: {  	[smem:$0x3FC3] =	sst s2  }
0x8f: {  	_ = 	snop  }
0x90: {  	s2 =	sld [smem:$0x3FC9]  }
0x91: {  	s18 =	sld [smem:$0x3FC8]  }
0x92: {  	s4 =	sld [smem:$0x3FD0];
	(tm) =	ssettm $0x1  }
0x93: {  	s5 =	sld [smem:$0x3FFB];
	_ =	sdelay $0x3  }
0x94: {  	_ =	strace s5  }
0x95: {  	s5 =	sld [smem:$0x3FFC];
	_ =	sdelay $0x3  }
0x96: {  	_ =	strace s5  }
0x97: {  	s5 =	sld [smem:$0x3FFD];
	_ =	sdelay $0x3  }
0x98: {  	_ =	strace s5  }
0x99: {  	_ =	strace $0x8FFFFFFF  }
0x9a: {  	s19 =	sld [smem:$0x3FDB];
	_ =	sdelay $0x1  }
0x9b: {  	s6 =	simm.s32 $_scs_section_size  }
0x9c: {  	s7 =	simm.s32 $_size__tile_overlayer_lowered;
	s8 =	simm.s32 $_tile_overlayer_lowered  }
0x9d: {  	s22 =	simm.s32 $0x1BFF;
	s21 =	sshll.u32 s8, $0x1;
	s5 =	sadd.s32 s6, s19  }
0x9e: {  	s9 =	simm.s32 $0x0;
	s20 =	sshll.u32 s7, $0x1;
	s7 =	sadd.s32 s21, s5  }
0x9f: {  	[timem:s9], [sflag:s22] =	dma.local [hbm:s7], s20  }
0xa0: {  	_ =	swait.ge [sflag:s22], s20  }
0xa1: {  	s6 =	ssub.s32 $0x0, s20;
	[sflag:s22] =	ssyncset.done $0x0  }
0xa2: {  	[sflag:s22] =	ssyncadd.s32 s6;
	_ =	sdelay $0x1  }
0xa3: {  	s23 =	simm.s32 $0x1B8B  }
0xa4: {  	_ =	swait.ge [sflag:s23], $0x1  }
0xa5: {  	[sflag:s23] =	ssyncset.done $0x0  }
0xa6: {  	s25 =	simm.s32 $0x1B8E;
	s24 =	sld [smem:$0x3FFE];
	[sflag:s23] =	ssyncadd.s32 $0xFFFFFFFF  }
0xa7: {  	s26 =	simm.s32 $execute0_lowered;
	[smem:$0x3FD2] =	sst s25  }
0xa8: {  	s7 =	sshll.u32 s26, $0x1;
	_ =	strace $0x80000046;
	[dreg:$0x1] =	wrdreg $0xFFFFFFFF  }
0xa9: {  	s28 =	simm.s32 $_size_execute0_lowered;
	s5 =	sadd.s32 s5, s7;
	[dreg:$0x0] =	wrdreg $0x0  }
0xaa: {  	s7 =	sshll.u32 s28, $0x1;
	[dreg:$0x2] =	wrdreg s5  }
0xab: {  	[dreg:$0x3] =	wrdreg s7  }
0xac: {  	[dreg:$0x4] =	wrdreg $0xC0  }
0xad: {  	_ =	task [dreg:s9], $0x5FFFF  }
0xae: {  	[dreg:$0x1] =	wrdreg $0xFFFFFFFF  }
0xaf: {  	[dreg:$0x0] =	wrdreg $0x60  }
0xb0: {  	[dreg:$0x2] =	wrdreg s24  }
0xb1: {  	[dreg:$0x3] =	wrdreg s2  }
0xb2: {  	[dreg:$0x4] =	wrdreg s18  }
0xb3: {  	[dreg:$0x5] =	wrdreg s4  }
0xb4: {  	[dreg:$0x6] =	wrdreg $0x9  }
0xb5: {  	_ =	task.clear_ibuf [dreg:s9], $0x7FFFF;
	_ =	strace $0x90000046  }
0xb6: {  	s29 =	simm.s32 $0x9;
	_ =	strace $0x80000048  }
0xb7: {  	_ =	swait.ge [sflag:s29], $0x1  }
0xb8: {  	[sflag:s29] =	ssyncadd.s32 $0xFFFFFFFF  }
0xb9: {  	_ =	strace $0x90000048  }
0xba: {  	_ =	sfence  }
0xbb: {  	s30 =	sld [smem:$0x0];
	_ =	sdelay $0x2  }
0xbc: {  	s31 =	sshll.u32 s1, $0xD;
	s1 =	sshrl.u32 s1, $0x2  }
0xbd: {  	s3 =	sand.u32 $0x4000, s31;
	s1 =	sadd.s32 s1, s30  }
0xbe: {  	s0 =	sor.u32 s3, s0;
	s1 =	sshll.u32 s1, $0x11  }
0xbf: {  	s0 =	sor.u32 s1, s0  }
0xc0: {  	s0 =	sadd.s32 $0x8F2B, s0  }
0xc1: {  	[sflag:s0] =	ssyncadd.remote.s32 $0x1  }
0xc2: {  	_ =	sfence.sel $0xFFFF  }
0xc3: {  	[dreg:$0x0] =	wrdreg $0xFFFFFFFF;
	(pc) =	sbr.abs _section_cstart, $3  }
0xc4: {  	[dreg:$0x1] =	wrdreg $0xFFFFFFFF  }
0xc5: {  	_ =	task.clear_ibuf [dreg:s9], $0x2FFFF;
	_ =	strace $0x9FFFFFFF  }
0xc6: {  	(tm) =	ssettm $0x7FFFFFFF  }
0xc7: {  	_ =	shalt  }
tec
execute0_lowered:
.L_overlay_start_1:
0x0: {  	(tag) =	ssettag $0x1  }
0x1: {  	v0 =	vimm.s32 $0xEFCDAB89  }
0x2: {  	vm0 =	vcmask $0xB08;
	vm1 =	vcmask $0x300;
	v1 =	vimm.s32 $0x67452301  }
0x3: {  	v2 =	vimm.s32 $0xDCFE98BA;
	v3 =	vimm.s32 $0x54761032;
	vm2 =	vcmask $0x700  }
0x4: {  	vm3 =	vcmask $0x3B38;
	v4 =	vimm.s32 $0xFEDCBA98;
	v5 =	vimm.s32 $0x76543210  }
0x5: {  	s0 =	rddreg [dreg:$0x0];
	v0 =	vunpack.c.l.s4.s8 v0;
	vm0 =	vmor vm1, vm0;
	vm1 =	vcmask $0x1310  }
0x6: {  	s1 =	rddreg [dreg:$0x1];
	v1 =	vunpack.c.l.s4.s8 v1;
	v2 =	vunpack.c.l.s4.s8 v2;
	v3 =	vunpack.c.l.s4.s8 v3  }
0x7: {  	s6 =	rddreg [dreg:$0x2];
	v4 =	vunpack.c.l.s4.s8 v4;
	vm0 =	vmor vm0, vm1;
	vm1 =	vcmask $0x1B18  }
0x8: {  	s7 =	rddreg [dreg:$0x3];
	s3 =	srdreg.scid;
	v0 =	vunpack.c.0.s8.s32 v0;
	vm0 =	vmor vm0, vm1;
	vm1 =	vcmask $0x2320  }
0x9: {  	s2 =	simm.s32 $0x0;
	s5 =	stileid.u32;
	s12 =	simm.s32 $0x100;
	v1 =	vunpack.c.0.s8.s32 v1;
	vm0 =	vmor vm0, vm1;
	vm1 =	vcmask $0x2B28  }
0xa: {  	s14 =	simm.s32 $0x1;
	s16 =	simm.s32 $0xA500;
	s17 =	simm.s32 $0x48;
	v4 =	vunpack.c.0.s8.s32 v4;
	vm0 =	vmor vm0, vm1;
	vm1 =	vcmask $0x3330  }
0xb: {  	s18 =	simm.s32 $0x180;
	s19 =	simm.s32 $0xC500;
	s20 =	simm.s32 $0xD900;
	v0 =	vcombine.low v1, v0;
	v1 =	vunpack.c.0.s8.s32 v2;
	v2 =	vunpack.c.0.s8.s32 v3  }
0xc: {  	s21 =	simm.s32 $0xF900;
	s22 =	simm.s32 $0x2;
	s23 =	simm.s32 $0x3;
	v3 =	vimm.s32 $0x32107654;
	vm0 =	vmor vm0, vm1;
	vm1 =	vcmask $0x1710  }
0xd: {  	s24 =	simm.s32 $0x4;
	s25 =	simm.s32 $0x5;
	s26 =	simm.s32 $0x0;
	v3 =	vunpack.c.l.s4.s8 v3;
	v1 =	vcombine.low v2, v1;
	v2 =	vimm.s32 $0xBA98FEDC  }
0xe: {  	s4 =	sand.u32 $0x1, s3;
	[smem:$0x7FF] =	sst s2;
	s30 =	sshll.u32 s5, $0x8;
	vm1 =	vmor vm2, vm1;
	vm2 =	vcmask $0x2720;
	v2 =	vunpack.c.l.s4.s8 v2  }
0xf: {  	s3 =	sadd.s32 $0xF42E00, s0;
	v5 =	vunpack.c.l.s4.s8 v5;
	s31 =	sshll.u32 s4, $0x7;
	_ =	strace $0x80000047;
	v4 =	vand.u32 $0xF, v4;
	vm1 =	vmor vm1, vm2  }
0x10: {  	s9 =	ssub.s32 $0x2, s4;
	s4 =	sadd.s32 $0x800, s0;
	s5 =	sor.u32 s31, s30;
	vm2 =	vcmask $0x3730;
	v3 =	vunpack.c.0.s8.s32 v3;
	v2 =	vunpack.c.0.s8.s32 v2  }
0x11: {  	s10 =	sshrl.u32 s9, $0x1;
	s8 =	smul.u32 $0x19, s5;
	s11 =	sshrl.u32 s5, $0x3;
	vm0 =	vmor vm0, vm3;
	vm3 =	vcmask $0xF00;
	vm1 =	vmor vm1, vm2  }
0x12: {  	s9 =	ssub.s32 s9, s10;
	s10 =	simm.s32 $0x6;
	s5 =	sadd.s32 s1, s11;
	vm2 =	vcmask $0x2F20;
	v2 =	vcombine.low v3, v2;
	v3 =	vunpack.c.0.s8.s32 v5  }
0x13: {  	s6 =	sadd.s32 s6, s11;
	s9 =	smax.u32 s9, $0x1;
	s0 =	sadd.s32 s8, s0;
	v0 =	vand.u32 $0xF, v0;
	v1 =	vand.u32 $0xF, v1;
	vm2 =	vmor vm3, vm2  }
0x14: {  	s11 =	simm.s32 $0x80;
	s7 =	sadd.s32 s7, s8;
	s8 =	sadd.s32 $0x2800, s0;
	vm3 =	vmmov $0xff;
	v2 =	vand.u32 $0xF, v2;
	v3 =	vcombine.low v4, v3  }
.LBB2_1:
0x15: {  	[tilespmem:s2], [sflag:$0x6] =	stream.linear.gather [hbm4b:s5+s2], $0x80, $0x38;
	[tilespmem:$0x17500] =	vst v63  }
0x16: {  	_ =	swait.ge [sflag:s10], $0x80  }
0x17: {  	[sflag:s10] =	ssyncset.done $0x0  }
0x18: {  	[sflag:s10] =	ssyncadd.s32 $0xFFFFFF80  }
0x19: {  	[tilespmem:s11], [sflag:$0x6] =	stream.linear.gather [hbm4b:s6+s2], $0x80, $0x38;
	[tilespmem:$0x17500] =	vst v63  }
0x1a: {  	_ =	swait.ge [sflag:s10], $0x80  }
0x1b: {  	[sflag:s10] =	ssyncset.done $0x0  }
0x1c: {  	[sflag:s10] =	ssyncadd.s32 $0xFFFFFF80  }
0x1d: {  	[tilespmem:s12], [sflag:$0x6] =	stream.linear.gather [hbm4b:s7+s2], $0x6400, $0x38;
	[tilespmem:$0x17500] =	vst v63  }
0x1e: {  	_ =	swait.ge [sflag:s10], $0x6400  }
0x1f: {  	[sflag:s10] =	ssyncset.done $0x0  }
0x20: {  	s0 =	simm.s32 $0x6500;
	[sflag:s10] =	ssyncadd.s32 $0xFFFF9C00  }
0x21: {  	[tilespmem:s0], [sflag:$0x1] =	stream.indirect.gather [hbm4b:s3+s11], $0x40, s2, s11, $0xb8;
	[tilespmem:$0x17500] =	vst v63  }
0x22: {  	_ =	swait.ge [sflag:s14], $0x2000  }
0x23: {  	[sflag:s14] =	ssyncset.done $0x0  }
0x24: {  	s31 =	simm.s32 $0x8500;
	[sflag:s14] =	ssyncadd.s32 $0xFFFFE000  }
0x25: {  	[tilespmem:s31], [sflag:$0x1] =	stream.indirect.gather [hbm4b:s4+s11], $0x40, s11, s11, $0xb8;
	[tilespmem:$0x17500] =	vst v63  }
0x26: {  	_ =	swait.ge [sflag:s14], $0x2000  }
0x27: {  	[sflag:s14] =	ssyncset.done $0x0  }
0x28: {  	s0 =	simm.s32 $0x0;
	[sflag:s14] =	ssyncadd.s32 $0xFFFFE000  }
0x29: {  	v9 =	vld [tilespmem:s0+$0x8500]  }
0x2a: {  	v10 =	vld [tilespmem:s0+$0x8510]  }
0x2b: {  	v5 =	vld [tilespmem:s0+$0x8520]  }
0x2c: {  	v4 =	vld [tilespmem:s0+$0x8530]  }
0x2d: {  	v6 =	vld [tilespmem:s0+$0x6500]  }
0x2e: {  	v8 =	vld [tilespmem:s0+$0x6510]  }
0x2f: {  	s1 =	simm.s32 $0x100;
	v7 =	vld [tilespmem:s0+$0x6520]  }
.LBB2_2:
0x30: {  	s13 =	sshra.s32 s1, $0x2;
	p0 =	sne.s32 s1, $0x7F00;
	v11 =	vld [tilespmem:s0+$0x6530];
	v12 =	vmov v5  }
0x31: {  	v13 =	vld [tilespmem:s13+$0x8500];
	v14 =	vmov v4  }
0x32: {  	v15 =	vld [tilespmem:s13+$0x8510];
	v6 =	vmul.f32 v9, v6  }
.Ltmp0:
0x33: {  	v5 =	vld [tilespmem:s13+$0x8520];
	v8 =	vmul.f32 v10, v8;
	(pc) =	sbr.rel @p0 .LBB2_2-.Ltmp0, $4  }
0x34: {  	v4 =	vld [tilespmem:s13+$0x8530];
	[tilespmem:s0+$0x6500] =	vst v6;
	v7 =	vmul.f32 v12, v7  }
0x35: {  	v6 =	vld [tilespmem:s13+$0x6500];
	[tilespmem:s0+$0x6510] =	vst v8;
	v11 =	vmul.f32 v14, v11  }
0x36: {  	v8 =	vld [tilespmem:s13+$0x6510];
	[tilespmem:s0+$0x6520] =	vst v7;
	v9 =	vmov v13  }
0x37: {  	s1 =	sadd.s32 $0x100, s1;
	v7 =	vld [tilespmem:s13+$0x6520];
	[tilespmem:s0+$0x6530] =	vst v11;
	v10 =	vmov v15;
	s0 =	smov.u32 s13  }
0x38: {  	v11 =	vld [tilespmem:s0+$0x6530];
	_ =	sdelay $0x1  }
0x39: {  	v6 =	vmul.f32 v9, v6  }
0x3a: {  	v8 =	vmul.f32 v10, v8  }
0x3b: {  	[tilespmem:s0+$0x6500] =	vst v6;
	v5 =	vmul.f32 v5, v7  }
0x3c: {  	[tilespmem:s0+$0x6510] =	vst v8;
	v4 =	vmul.f32 v4, v11  }
0x3d: {  	[tilespmem:s0+$0x6520] =	vst v5  }
0x3e: {  	[tilespmem:s0+$0x6530] =	vst v4  }
0x3f: {  	[tilespmem:s16], [sflag:$0x2] =	stream.indirect.gather [hbm4b:s3+s11], $0x40, s12, s11, $0xb8;
	[tilespmem:$0x17500] =	vst v63  }
0x40: {  	s28 =	simm.s32 $0x0;
	s29 =	simm.s32 $0x10D00;
	s30 =	simm.s32 $0x10DD0  }
0x41: {  	[tilespmem:s19], [sflag:$0x3] =	stream.indirect.gather [hbm4b:s3+s17], $0x40, s18, s17, $0xb8;
	[tilespmem:$0x17500] =	vst v63  }
.LBB2_4:
0x42: {  	s31 =	sshllo.u32 s28, $0x1  }
0x43: {  	s0 =	smul.u32 $0x320, s31;
	_ =	sdelay $0x1  }
0x44: {  	s0 =	sshra.s32 s0, $0x2  }
0x45: {  	s1 =	sadd.s32 $0x100, s0  }
0x46: {  	[tilespmem:s20], [sflag:$0x4] =	stream.indirect.gather [hbm4b:s3+s11], $0x40, s1, s11, $0xb8;
	[tilespmem:$0x17500] =	vst v63  }
0x47: {  	s0 =	sadd.s32 $0x180, s0  }
0x48: {  	[tilespmem:s21], [sflag:$0x5] =	stream.indirect.gather [hbm4b:s3+s17], $0x40, s0, s17, $0xb8;
	[tilespmem:$0x17500] =	vst v63  }
0x49: {  	_ =	swait.ge [sflag:s22], $0x2000  }
0x4a: {  	[sflag:s22] =	ssyncset.done $0x0  }
0x4b: {  	[sflag:s22] =	ssyncadd.s32 $0xFFFFE000  }
0x4c: {  	_ =	swait.ge [sflag:s23], $0x1200  }
0x4d: {  	s15 =	sshll.u32 s28, $0x7;
	[sflag:s23] =	ssyncset.done $0x0  }
0x4e: {  	s0 =	sand.u32 $0x3FFFFF80, s15;
	[sflag:s23] =	ssyncadd.s32 $0xFFFFEE00  }
0x4f: {  	v6 =	vld [tilespmem:s0+$0x6500]  }
0x50: {  	v7 =	vld [tilespmem:s0+$0x6510]  }
0x51: {  	v5 =	vld [tilespmem:s0+$0x6520]  }
0x52: {  	v4 =	vld [tilespmem:s0+$0x6530];
	s0 =	simm.s32 $0xA700  }
0x53: {  	v8 =	vld [tilespmem:s0+$0xFFFFFE30]  }
0x54: {  	v9 =	vld [tilespmem:s0+$0xFFFFFE70]  }
0x55: {  	v10 =	vld [tilespmem:s0+$0xFFFFFEB0]  }
0x56: {  	v11 =	vld [tilespmem:s0+$0xFFFFFEF0]  }
0x57: {  	v12 =	vld [tilespmem:s0+$0xFFFFFF30]  }
0x58: {  	v13 =	vld [tilespmem:s0+$0xFFFFFF70]  }
0x59: {  	v14 =	vld [tilespmem:s0+$0xFFFFFFB0]  }
0x5a: {  	v15 =	vld [tilespmem:s0+$0xFFFFFFF0]  }
0x5b: {  	v16 =	vld [tilespmem:s0+$0x30]  }
0x5c: {  	v17 =	vld [tilespmem:s0+$0x70]  }
0x5d: {  	v18 =	vld [tilespmem:s0+$0xB0]  }
0x5e: {  	v19 =	vld [tilespmem:s0+$0xF0]  }
0x5f: {  	v20 =	vld [tilespmem:s0+$0x130]  }
0x60: {  	v21 =	vld [tilespmem:s0+$0x170]  }
0x61: {  	v22 =	vld [tilespmem:s0+$0xFFFFFE20]  }
0x62: {  	v23 =	vld [tilespmem:s0+$0xFFFFFE60]  }
0x63: {  	v24 =	vld [tilespmem:s0+$0xFFFFFE00]  }
0x64: {  	v25 =	vld [tilespmem:s0+$0xFFFFFE10]  }
0x65: {  	v26 =	vld [tilespmem:s0+$0xFFFFFE40]  }
0x66: {  	v27 =	vld [tilespmem:s0+$0xFFFFFE50];
	v8 =	vmul.f32 v8, v4  }
0x67: {  	v32 =	vld [tilespmem:s0+$0xFFFFFEE0];
	v28 =	vmul.f32 v9, v4;
	v29 =	vmul.f32 v10, v4  }
0x68: {  	v33 =	vld [tilespmem:s0+$0xFFFFFF20];
	v30 =	vmul.f32 v11, v4;
	v31 =	vmul.f32 v12, v4  }
0x69: {  	v34 =	vld [tilespmem:s0+$0xFFFFFEC0];
	v13 =	vmul.f32 v13, v4;
	v14 =	vmul.f32 v14, v4  }
0x6a: {  	v35 =	vld [tilespmem:s0+$0xFFFFFED0];
	v15 =	vmul.f32 v15, v4;
	v16 =	vmul.f32 v16, v4  }
0x6b: {  	v51 =	vld [tilespmem:s0+$0xFFFFFF80];
	v9 =	vmul.f32 v24, v6;
	v11 =	vmul.f32 v25, v7  }
0x6c: {  	v10 =	vld [tilespmem:s0+$0xFFFFFEA0];
	v12 =	vmul.f32 v26, v6;
	v25 =	vmul.f32 v27, v7  }
0x6d: {  	v26 =	vld [tilespmem:s0+$0xFFFFFE80];
	v22 =	vmul.f32 v22, v5;
	v17 =	vmul.f32 v17, v4  }
0x6e: {  	v27 =	vld [tilespmem:s0+$0xFFFFFE90];
	v23 =	vmul.f32 v23, v5;
	v34 =	vmul.f32 v34, v6;
	v9 =	vadd.f32 v11, v9  }
0x6f: {  	v24 =	vld [tilespmem:s0+$0xFFFFFF60];
	v35 =	vmul.f32 v35, v7;
	v25 =	vadd.f32 v25, v12;
	v12 =	vmul.f32 v18, v4  }
0x70: {  	v49 =	vld [tilespmem:s0+$0xFFFFFFA0];
	v11 =	vmul.f32 v19, v4;
	v18 =	vadd.f32 v22, v9;
	v9 =	vmul.f32 v20, v4  }
0x71: {  	v52 =	vld [tilespmem:s0+$0xFFFFFF90];
	v19 =	vadd.f32 v23, v25;
	v25 =	vmul.f32 v33, v5;
	v33 =	vmul.f32 v51, v6  }
0x72: {  	v22 =	vld [tilespmem:s0+$0xFFFFFF00];
	v20 =	vmul.f32 v10, v5;
	v10 =	vmul.f32 v21, v4  }
0x73: {  	v23 =	vld [tilespmem:s0+$0xFFFFFF10];
	v26 =	vmul.f32 v26, v6;
	v27 =	vmul.f32 v27, v7  }
0x74: {  	v21 =	vld [tilespmem:s0+$0xFFFFFF40];
	v24 =	vmul.f32 v24, v5;
	v8 =	vadd.f32 v8, v18;
	v18 =	vadd.f32 v28, v19  }
0x75: {  	v19 =	vmul.f32 v32, v5;
	v28 =	vld [tilespmem:s0+$0xFFFFFF50];
	v32 =	vmul.f32 v49, v5;
	v26 =	vadd.f32 v27, v26  }
0x76: {  	v38 =	vld [tilespmem:s0+$0x20];
	v27 =	vadd.f32 v35, v34;
	v34 =	vmul.f32 v52, v7;
	v50 =	vperm.xlane v8, v0  }
0x77: {  	v37 =	vld [tilespmem:s0+$0xFFFFFFE0];
	v36 =	vperm.xlane v18, v0;
	v22 =	vmul.f32 v22, v6  }
0x78: {  	v39 =	vld [tilespmem:s0+$0x60];
	v23 =	vmul.f32 v23, v7;
	v20 =	vadd.f32 v20, v26;
	v19 =	vadd.f32 v19, v27  }
0x79: {  	v26 =	vld [tilespmem:s0+$0xFFFFFFD0];
	v33 =	vadd.f32 v34, v33;
	v8 =	vadd.f32 v50, v8;
	v21 =	vmul.f32 v21, v6  }
0x7a: {  	v18 =	vadd.f32 v36, v18;
	v28 =	vmul.f32 v28, v7;
	v22 =	vadd.f32 v23, v22;
	v23 =	vld [tilespmem:s0+$0xFFFFFFC0]  }
0x7b: {  	v27 =	vmul.f32 v38, v5;
	v20 =	vadd.f32 v29, v20;
	v19 =	vadd.f32 v30, v19;
	v29 =	vld [tilespmem:s0+$0x10]  }
0x7c: {  	v55 =	vld [tilespmem:s0+$0xA0];
	v21 =	vadd.f32 v28, v21;
	v28 =	vmul.f32 v37, v5;
	v22 =	vadd.f32 v25, v22  }
0x7d: {  	v30 =	vld [tilespmem:s0+$0x40];
	v18 =	vsel vm0, v8, v18;
	v53 =	vperm.xlane v20, v0;
	v54 =	vperm.xlane v19, v0  }
0x7e: {  	v25 =	vmul.f32 v39, v5;
	v21 =	vadd.f32 v24, v21;
	v24 =	vld [tilespmem:s0+$0x0];
	v22 =	vadd.f32 v31, v22  }
0x7f: {  	v31 =	vld [tilespmem:s0+$0x50];
	v35 =	vadd.f32 v53, v20;
	v19 =	vadd.f32 v54, v19;
	v20 =	vmul.f32 v23, v6  }
0x80: {  	v60 =	vld [tilespmem:s0+$0xD0];
	v23 =	vmul.f32 v26, v7;
	v26 =	vmul.f32 v29, v7;
	v21 =	vadd.f32 v13, v21  }
0x81: {  	v40 =	vld [tilespmem:s0+$0xE0];
	v8 =	vmov s29;
	v13 =	vperm.xlane v18, v1;
	v56 =	vperm.xlane v22, v0  }
0x82: {  	v41 =	vld [tilespmem:s0+$0x120];
	v19 =	vsel vm0, v35, v19;
	v23 =	vadd.f32 v23, v20;
	v57 =	vperm.xlane v21, v0  }
0x83: {  	v59 =	vld [tilespmem:s0+$0x90];
	v13 =	vadd.f32 v13, v18;
	v29 =	vadd.f32 v56, v22;
	v24 =	vmul.f32 v24, v6  }
0x84: {  	v18 =	vld [tilespmem:s0+$0x160];
	v22 =	vmul.f32 v30, v6;
	v30 =	vmul.f32 v31, v7;
	v23 =	vadd.f32 v28, v23  }
0x85: {  	v35 =	vmul.f32 v60, v7;
	v31 =	vld [tilespmem:s0+$0x80];
	v58 =	vadd.f32 v57, v21;
	v24 =	vadd.f32 v26, v24  }
0x86: {  	v20 =	vmul.f32 v55, v5;
	v22 =	vadd.f32 v30, v22;
	v30 =	vld [tilespmem:s0+$0xC0];
	v26 =	vadd.f32 v32, v33  }
0x87: {  	v21 =	vmul.f32 v40, v5;
	v61 =	vadd.f32 v15, v23;
	v23 =	vld [tilespmem:s0+$0x110];
	v24 =	vadd.f32 v27, v24  }
0x88: {  	v15 =	vsel vm0, v29, v58;
	v29 =	vld [tilespmem:s0+$0x190];
	v25 =	vadd.f32 v25, v22;
	v33 =	vadd.f32 v14, v26  }
0x89: {  	v22 =	vld [tilespmem:s0+$0x100];
	v27 =	vperm.xlane v19, v1;
	v63 =	vperm.xlane v61, v0;
	v62 =	vadd.f32 v16, v24  }
0x8a: {  	v26 =	vld [tilespmem:s0+$0x180];
	v28 =	vadd.f32 v17, v25;
	v16 =	vperm.xlane v15, v1;
	v17 =	vperm.xlane v33, v0  }
0x8b: {  	v24 =	vld [tilespmem:s0+$0x140];
	v14 =	vadd.f32 v27, v19;
	v27 =	vmul.f32 v31, v6;
	v31 =	vmul.f32 v59, v7  }
0x8c: {  	v25 =	vld [tilespmem:s0+$0x150];
	v19 =	vperm.xlane v62, v0;
	v32 =	vperm.xlane v28, v0;
	v15 =	vadd.f32 v16, v15  }
0x8d: {  	v16 =	vadd.f32 v17, v33;
	v33 =	vmul.f32 v30, v6;
	v30 =	vld [tilespmem:s0+$0x1C0];
	v17 =	vadd.f32 v63, v61  }
0x8e: {  	s13 =	simm.s32 $0x40;
	s1 =	simm.s32 $0x0;
	v34 =	vadd.f32 v31, v27;
	v27 =	vmul.f32 v41, v5;
	v31 =	vld [tilespmem:s0+$0x1D0];
	v19 =	vadd.f32 v19, v62  }
.LBB2_5:
0x8f: {  	p0 =	sne.s32 s13, $0x300;
	v33 =	vadd.f32 v35, v33;
	v18 =	vmul.f32 v18, v5;
	v35 =	vld [tilespmem:s0+$0x1A0];
	v28 =	vadd.f32 v32, v28  }
0x90: {  	v22 =	vmul.f32 v22, v6;
	v23 =	vmul.f32 v23, v7;
	v20 =	vadd.f32 v20, v34;
	v32 =	vld [tilespmem:s0+$0x1E0]  }
0x91: {  	v24 =	vmul.f32 v24, v6;
	v25 =	vmul.f32 v25, v7;
	v21 =	vadd.f32 v21, v33;
	v33 =	vld [tilespmem:s0+$0x1B0]  }
0x92: {  	v12 =	vadd.f32 v12, v20;
	v20 =	vmul.f32 v26, v6;
	v26 =	vmul.f32 v29, v7;
	v29 =	vld [tilespmem:s0+$0x1F0]  }
0x93: {  	v11 =	vadd.f32 v11, v21;
	v21 =	vmul.f32 v30, v6;
	v30 =	vmul.f32 v31, v7  }
0x94: {  	v22 =	vadd.f32 v23, v22;
	v23 =	vadd.f32 v25, v24;
	v24 =	vmul.f32 v35, v5  }
0x95: {  	v20 =	vadd.f32 v26, v20;
	v21 =	vadd.f32 v30, v21;
	v25 =	vmul.f32 v32, v5  }
0x96: {  	v22 =	vadd.f32 v27, v22;
	v18 =	vadd.f32 v18, v23;
	v23 =	vmul.f32 v33, v4  }
0x97: {  	v20 =	vadd.f32 v24, v20;
	v21 =	vadd.f32 v25, v21;
	v24 =	vmul.f32 v29, v4  }
0x98: {  	v9 =	vadd.f32 v9, v22;
	v10 =	vadd.f32 v10, v18;
	v18 =	vperm.xlane v12, v0  }
0x99: {  	v22 =	vperm.xlane v11, v0;
	v20 =	vadd.f32 v23, v20;
	v21 =	vadd.f32 v24, v21  }
0x9a: {  	v12 =	vadd.f32 v18, v12;
	v18 =	vperm.xlane v9, v0;
	v23 =	vperm.xlane v10, v0  }
0x9b: {  	v11 =	vadd.f32 v22, v11;
	v22 =	vperm.xlane v20, v0;
	v24 =	vperm.xlane v21, v0  }
0x9c: {  	v16 =	vsel vm0, v16, v17;
	v9 =	vadd.f32 v18, v9;
	v10 =	vadd.f32 v23, v10  }
0x9d: {  	v19 =	vsel vm0, v19, v28;
	v17 =	vadd.f32 v22, v20;
	v18 =	vadd.f32 v24, v21  }
0x9e: {  	v11 =	vsel vm0, v12, v11;
	v12 =	vperm.xlane v16, v1;
	v20 =	vperm.xlane v19, v1  }
0x9f: {  	v9 =	vsel vm0, v9, v10;
	v10 =	vsel vm0, v17, v18;
	v17 =	vperm.xlane v11, v1  }
0xa0: {  	v12 =	vadd.f32 v12, v16;
	v16 =	vperm.xlane v9, v1;
	v18 =	vperm.xlane v10, v1  }
0xa1: {  	v19 =	vadd.f32 v20, v19;
	v11 =	vadd.f32 v17, v11  }
0xa2: {  	v13 =	vsel vm1, v13, v14;
	v9 =	vadd.f32 v16, v9;
	v10 =	vadd.f32 v18, v10  }
0xa3: {  	v14 =	vperm.xlane v13, v2;
	v12 =	vsel vm1, v15, v12  }
0xa4: {  	v11 =	vsel vm1, v19, v11;
	v9 =	vsel vm1, v9, v10;
	v10 =	vperm.xlane v12, v2  }
0xa5: {  	v15 =	vperm.xlane v11, v2;
	v16 =	vperm.xlane v9, v2  }
0xa6: {  	v13 =	vadd.f32 v14, v13;
	v10 =	vadd.f32 v10, v12  }
0xa7: {  	v11 =	vadd.f32 v15, v11;
	v9 =	vadd.f32 v16, v9;
	_ =	sdelay $0x1  }
0xa8: {  	v10 =	vsel vm2, v13, v10;
	v9 =	vsel vm2, v11, v9  }
0xa9: {  	v11 =	vperm.xlane v10, v3;
	v12 =	vperm.xlane v9, v3;
	_ =	sdelay $0x1  }
0xaa: {  	v10 =	vadd.f32 v11, v10;
	v9 =	vadd.f32 v12, v9;
	_ =	sdelay $0x1  }
0xab: {  	s15 =	sshra.s32 s1, $0x2;
	s1 =	smov.u32 s13;
	v9 =	vsel vm3, v10, v9  }
0xac: {  	s0 =	sadd.s32 $0x400, s0;
	[tilespmem:v8+s15+$0x0 ss:$0x1] =	vst.idx.msk $0xffff, v9  }
0xad: {  	v9 =	vld [tilespmem:s0+$0xFFFFFE30]  }
0xae: {  	v10 =	vld [tilespmem:s0+$0xFFFFFE70]  }
0xaf: {  	v11 =	vld [tilespmem:s0+$0xFFFFFEB0]  }
0xb0: {  	v12 =	vld [tilespmem:s0+$0xFFFFFEF0]  }
0xb1: {  	v13 =	vld [tilespmem:s0+$0xFFFFFF30]  }
0xb2: {  	v14 =	vld [tilespmem:s0+$0xFFFFFF70]  }
0xb3: {  	v15 =	vld [tilespmem:s0+$0xFFFFFFB0]  }
0xb4: {  	v16 =	vld [tilespmem:s0+$0xFFFFFFF0]  }
0xb5: {  	v17 =	vld [tilespmem:s0+$0x30]  }
0xb6: {  	v18 =	vld [tilespmem:s0+$0x70]  }
0xb7: {  	v19 =	vld [tilespmem:s0+$0xB0]  }
0xb8: {  	v20 =	vld [tilespmem:s0+$0xF0]  }
0xb9: {  	v21 =	vld [tilespmem:s0+$0x130]  }
0xba: {  	v22 =	vld [tilespmem:s0+$0x170]  }
0xbb: {  	v23 =	vld [tilespmem:s0+$0xFFFFFE20]  }
0xbc: {  	v24 =	vld [tilespmem:s0+$0xFFFFFE60]  }
0xbd: {  	v25 =	vld [tilespmem:s0+$0xFFFFFE00]  }
0xbe: {  	v26 =	vld [tilespmem:s0+$0xFFFFFE10]  }
0xbf: {  	v27 =	vmul.f32 v9, v4;
	v9 =	vld [tilespmem:s0+$0xFFFFFE40]  }
0xc0: {  	v29 =	vmul.f32 v10, v4;
	v30 =	vmul.f32 v11, v4;
	v28 =	vld [tilespmem:s0+$0xFFFFFE50]  }
0xc1: {  	v31 =	vmul.f32 v12, v4;
	v13 =	vmul.f32 v13, v4;
	v10 =	vld [tilespmem:s0+$0xFFFFFEA0]  }
0xc2: {  	v33 =	vmul.f32 v14, v4;
	v15 =	vmul.f32 v15, v4;
	v32 =	vld [tilespmem:s0+$0xFFFFFEE0]  }
0xc3: {  	v16 =	vmul.f32 v16, v4;
	v14 =	vmul.f32 v17, v4;
	v34 =	vld [tilespmem:s0+$0xFFFFFF20]  }
0xc4: {  	v11 =	vmul.f32 v25, v6;
	v12 =	vmul.f32 v26, v7;
	v25 =	vld [tilespmem:s0+$0xFFFFFF60]  }
0xc5: {  	v9 =	vmul.f32 v9, v6;
	v26 =	vmul.f32 v28, v7;
	v28 =	vld [tilespmem:s0+$0xFFFFFE80]  }
0xc6: {  	v17 =	vmul.f32 v18, v4;
	v23 =	vmul.f32 v23, v5;
	v35 =	vld [tilespmem:s0+$0xFFFFFE90]  }
0xc7: {  	v24 =	vmul.f32 v24, v5;
	v18 =	vadd.f32 v12, v11;
	v9 =	vadd.f32 v26, v9;
	v26 =	vld [tilespmem:s0+$0xFFFFFEC0]  }
0xc8: {  	v12 =	vmul.f32 v19, v4;
	v11 =	vmul.f32 v20, v4;
	v36 =	vld [tilespmem:s0+$0xFFFFFED0]  }
0xc9: {  	v18 =	vadd.f32 v23, v18;
	v19 =	vadd.f32 v24, v9;
	v20 =	vld [tilespmem:s0+$0xFFFFFF00];
	v9 =	vmul.f32 v21, v4  }
0xca: {  	v21 =	vmul.f32 v10, v5;
	v10 =	vmul.f32 v22, v4;
	v23 =	vld [tilespmem:s0+$0xFFFFFF10]  }
0xcb: {  	v18 =	vadd.f32 v27, v18;
	v22 =	vmul.f32 v32, v5;
	v19 =	vadd.f32 v29, v19;
	v24 =	vld [tilespmem:s0+$0xFFFFFF40]  }
0xcc: {  	v27 =	vmul.f32 v34, v5;
	v25 =	vmul.f32 v25, v5;
	v29 =	vld [tilespmem:s0+$0xFFFFFF50]  }
0xcd: {  	v34 =	vperm.xlane v18, v0;
	v32 =	vld [tilespmem:s0+$0xFFFFFFA0];
	v37 =	vperm.xlane v19, v0  }
0xce: {  	v28 =	vmul.f32 v28, v6;
	v35 =	vmul.f32 v35, v7;
	v38 =	vld [tilespmem:s0+$0xFFFFFFE0]  }
0xcf: {  	v26 =	vmul.f32 v26, v6;
	v36 =	vmul.f32 v36, v7;
	v39 =	vld [tilespmem:s0+$0x20]  }
0xd0: {  	v18 =	vadd.f32 v34, v18;
	v20 =	vmul.f32 v20, v6;
	v23 =	vmul.f32 v23, v7;
	v40 =	vld [tilespmem:s0+$0x60]  }
0xd1: {  	v19 =	vadd.f32 v37, v19;
	v24 =	vmul.f32 v24, v6;
	v29 =	vmul.f32 v29, v7;
	v34 =	vld [tilespmem:s0+$0xFFFFFF80]  }
0xd2: {  	v28 =	vadd.f32 v35, v28;
	v26 =	vadd.f32 v36, v26;
	v35 =	vld [tilespmem:s0+$0xFFFFFF90];
	v32 =	vmul.f32 v32, v5  }
0xd3: {  	v20 =	vadd.f32 v23, v20;
	v23 =	vadd.f32 v29, v24;
	v24 =	vld [tilespmem:s0+$0xFFFFFFC0];
	v29 =	vmul.f32 v38, v5  }
0xd4: {  	v21 =	vadd.f32 v21, v28;
	v22 =	vadd.f32 v22, v26;
	v26 =	vld [tilespmem:s0+$0xFFFFFFD0];
	v28 =	vmul.f32 v39, v5  }
0xd5: {  	v20 =	vadd.f32 v27, v20;
	v23 =	vadd.f32 v25, v23;
	v25 =	vld [tilespmem:s0+$0x0];
	v27 =	vmul.f32 v40, v5  }
0xd6: {  	v21 =	vadd.f32 v30, v21;
	v18 =	vsel vm0, v18, v19;
	v22 =	vadd.f32 v31, v22;
	v30 =	vld [tilespmem:s0+$0x10]  }
0xd7: {  	v19 =	vadd.f32 v13, v20;
	v13 =	vperm.xlane v18, v1;
	v20 =	vadd.f32 v33, v23;
	v23 =	vld [tilespmem:s0+$0x40]  }
0xd8: {  	v36 =	vperm.xlane v22, v0;
	v33 =	vperm.xlane v21, v0;
	v31 =	vld [tilespmem:s0+$0x50]  }
0xd9: {  	v38 =	vperm.xlane v19, v0;
	v13 =	vadd.f32 v13, v18;
	v37 =	vld [tilespmem:s0+$0xA0];
	v39 =	vperm.xlane v20, v0  }
0xda: {  	v34 =	vmul.f32 v34, v6;
	v35 =	vmul.f32 v35, v7;
	v33 =	vadd.f32 v33, v21;
	v40 =	vld [tilespmem:s0+$0xE0]  }
0xdb: {  	v22 =	vadd.f32 v36, v22;
	v21 =	vmul.f32 v24, v6;
	v24 =	vmul.f32 v26, v7;
	v41 =	vld [tilespmem:s0+$0x120]  }
0xdc: {  	v19 =	vadd.f32 v38, v19;
	v25 =	vmul.f32 v25, v6;
	v26 =	vmul.f32 v30, v7;
	v18 =	vld [tilespmem:s0+$0x160]  }
0xdd: {  	v36 =	vadd.f32 v39, v20;
	v23 =	vmul.f32 v23, v6;
	v30 =	vmul.f32 v31, v7;
	v31 =	vld [tilespmem:s0+$0x80]  }
0xde: {  	v34 =	vadd.f32 v35, v34;
	v24 =	vadd.f32 v24, v21;
	v35 =	vld [tilespmem:s0+$0x90];
	v20 =	vmul.f32 v37, v5  }
0xdf: {  	v25 =	vadd.f32 v26, v25;
	v23 =	vadd.f32 v30, v23;
	v30 =	vld [tilespmem:s0+$0xC0];
	v21 =	vmul.f32 v40, v5  }
0xe0: {  	v26 =	vadd.f32 v32, v34;
	v24 =	vadd.f32 v29, v24;
	v29 =	vsel vm0, v33, v22;
	v34 =	vld [tilespmem:s0+$0xD0]  }
0xe1: {  	v32 =	vperm.xlane v29, v1;
	v25 =	vadd.f32 v28, v25;
	v27 =	vadd.f32 v27, v23;
	v22 =	vld [tilespmem:s0+$0x100]  }
0xe2: {  	v33 =	vadd.f32 v15, v26;
	v37 =	vadd.f32 v16, v24;
	v15 =	vsel vm0, v19, v36;
	v23 =	vld [tilespmem:s0+$0x110]  }
0xe3: {  	v16 =	vperm.xlane v15, v1;
	v19 =	vadd.f32 v14, v25;
	v28 =	vadd.f32 v17, v27;
	v24 =	vld [tilespmem:s0+$0x140]  }
.Ltmp1:
0xe4: {  	v14 =	vadd.f32 v32, v29;
	v17 =	vperm.xlane v33, v0;
	v27 =	vperm.xlane v37, v0;
	v25 =	vld [tilespmem:s0+$0x150];
	(pc) =	sbr.rel @p0 .LBB2_5-.Ltmp1, $4  }
0xe5: {  	v15 =	vadd.f32 v16, v15;
	v36 =	vperm.xlane v19, v0;
	v26 =	vld [tilespmem:s0+$0x180];
	v32 =	vperm.xlane v28, v0  }
0xe6: {  	v31 =	vmul.f32 v31, v6;
	v38 =	vmul.f32 v35, v7;
	v16 =	vadd.f32 v17, v33;
	v29 =	vld [tilespmem:s0+$0x190]  }
0xe7: {  	v33 =	vmul.f32 v30, v6;
	v35 =	vmul.f32 v34, v7;
	v17 =	vadd.f32 v27, v37;
	v30 =	vld [tilespmem:s0+$0x1C0]  }
0xe8: {  	s13 =	sadd.s32 $0x40, s13;
	v34 =	vadd.f32 v38, v31;
	v27 =	vmul.f32 v41, v5;
	v19 =	vadd.f32 v36, v19;
	v31 =	vld [tilespmem:s0+$0x1D0]  }
0xe9: {  	v33 =	vadd.f32 v35, v33;
	v18 =	vmul.f32 v18, v5;
	v42 =	vld [tilespmem:s0+$0x1A0];
	v28 =	vadd.f32 v32, v28  }
0xea: {  	v22 =	vmul.f32 v22, v6;
	v23 =	vmul.f32 v23, v7;
	v43 =	vld [tilespmem:s0+$0x1E0];
	v20 =	vadd.f32 v20, v34  }
0xeb: {  	v24 =	vmul.f32 v24, v6;
	v25 =	vmul.f32 v25, v7;
	v44 =	vld [tilespmem:s0+$0x1B0];
	v21 =	vadd.f32 v21, v33  }
0xec: {  	v12 =	vadd.f32 v12, v20;
	v20 =	vmul.f32 v26, v6;
	v26 =	vmul.f32 v29, v7;
	v29 =	vld [tilespmem:s0+$0x1F0]  }
0xed: {  	v6 =	vmul.f32 v30, v6;
	v11 =	vadd.f32 v11, v21;
	v7 =	vmul.f32 v31, v7  }
0xee: {  	v21 =	vadd.f32 v23, v22;
	v22 =	vadd.f32 v25, v24;
	v23 =	vmul.f32 v42, v5  }
0xef: {  	v20 =	vadd.f32 v26, v20;
	v5 =	vmul.f32 v43, v5;
	v6 =	vadd.f32 v7, v6  }
0xf0: {  	v7 =	vadd.f32 v27, v21;
	v18 =	vadd.f32 v18, v22;
	v21 =	vmul.f32 v44, v4  }
0xf1: {  	v20 =	vadd.f32 v23, v20;
	v5 =	vadd.f32 v5, v6;
	v4 =	vmul.f32 v29, v4  }
0xf2: {  	v6 =	vadd.f32 v9, v7;
	v7 =	vadd.f32 v10, v18;
	v9 =	vperm.xlane v12, v0  }
0xf3: {  	v10 =	vadd.f32 v21, v20;
	v4 =	vadd.f32 v4, v5;
	v5 =	vperm.xlane v11, v0  }
0xf4: {  	v9 =	vadd.f32 v9, v12;
	v12 =	vperm.xlane v6, v0;
	v18 =	vperm.xlane v7, v0  }
0xf5: {  	v5 =	vadd.f32 v5, v11;
	v11 =	vperm.xlane v10, v0;
	v20 =	vperm.xlane v4, v0  }
0xf6: {  	v6 =	vadd.f32 v12, v6;
	v7 =	vadd.f32 v18, v7;
	v12 =	vsel vm0, v16, v17  }
0xf7: {  	v10 =	vadd.f32 v11, v10;
	v4 =	vadd.f32 v20, v4;
	v11 =	vsel vm0, v19, v28  }
0xf8: {  	v5 =	vsel vm0, v9, v5;
	v9 =	vperm.xlane v12, v1;
	v6 =	vsel vm0, v6, v7  }
0xf9: {  	v16 =	vperm.xlane v11, v1;
	v7 =	vperm.xlane v5, v1;
	v4 =	vsel vm0, v10, v4  }
0xfa: {  	v9 =	vadd.f32 v9, v12;
	v10 =	vperm.xlane v6, v1;
	v12 =	vperm.xlane v4, v1  }
0xfb: {  	v11 =	vadd.f32 v16, v11;
	v5 =	vadd.f32 v7, v5  }
0xfc: {  	v6 =	vadd.f32 v10, v6;
	v4 =	vadd.f32 v12, v4  }
0xfd: {  	v7 =	vsel vm1, v13, v14;
	v9 =	vsel vm1, v15, v9;
	v5 =	vsel vm1, v11, v5  }
0xfe: {  	v10 =	vperm.xlane v7, v2;
	v11 =	vperm.xlane v5, v2;
	v4 =	vsel vm1, v6, v4  }
0xff: {  	v6 =	vperm.xlane v9, v2;
	v12 =	vperm.xlane v4, v2  }
0x100: {  	v7 =	vadd.f32 v10, v7;
	v5 =	vadd.f32 v11, v5  }
0x101: {  	v6 =	vadd.f32 v6, v9;
	v4 =	vadd.f32 v12, v4;
	_ =	sdelay $0x1  }
0x102: {  	v6 =	vsel vm2, v7, v6;
	v4 =	vsel vm2, v5, v4  }
0x103: {  	v5 =	vperm.xlane v6, v3;
	v7 =	vperm.xlane v4, v3  }
0x104: {  	p0 =	seq.s32 s28, $0x3F  }
0x105: {  	s0 =	smul.u32 @!p0 $0x640, s28;
	v5 =	vadd.f32 v5, v6;
	v4 =	vadd.f32 v7, v4;
	_ =	sdelay $0x1  }
0x106: {  	s1 =	sshra.s32 s1, $0x2;
	s0 =	sshra.s32 @!p0 s0, $0x2;
	v4 =	vsel vm3, v5, v4  }
0x107: {  	s13 =	simm.s32 @!p0 $0x80;
	s15 =	simm.s32 @!p0 $0xA500;
	[tilespmem:v8+s1+$0x0 ss:$0x1] =	vst.idx.msk $0xffff, v4;
	s1 =	sadd.s32 @!p0 $0x290, s0  }
0x108: {  	[tilespmem:s15], [sflag:$0x2] =	stream.indirect.gather @!p0 [hbm4b:s3+s13], $0x40, s1, s13, $0xb8;
	[tilespmem:$0x17500] =	vst v63  }
0x109: {  	s0 =	sadd.s32 @!p0 $0x310, s0;
	s1 =	simm.s32 @!p0 $0x48;
	s13 =	simm.s32 @!p0 $0xC500  }
0x10a: {  	[tilespmem:s13], [sflag:$0x3] =	stream.indirect.gather @!p0 [hbm4b:s3+s1], $0x40, s0, s1, $0xb8;
	[tilespmem:$0x17500] =	vst v63  }
0x10b: {  	_ =	swait.ge [sflag:s24], $0x2000  }
0x10c: {  	[sflag:s24] =	ssyncset.done $0x0  }
0x10d: {  	[sflag:s24] =	ssyncadd.s32 $0xFFFFE000  }
0x10e: {  	_ =	swait.ge [sflag:s25], $0x1200  }
0x10f: {  	s15 =	sshll.u32 s31, $0x6;
	[sflag:s25] =	ssyncset.done $0x0  }
0x110: {  	s0 =	sand.u32 $0x3FFFFFC0, s15;
	[sflag:s25] =	ssyncadd.s32 $0xFFFFEE00  }
0x111: {  	v6 =	vld [tilespmem:s0+$0x6500]  }
0x112: {  	v7 =	vld [tilespmem:s0+$0x6510]  }
0x113: {  	v5 =	vld [tilespmem:s0+$0x6520]  }
0x114: {  	v4 =	vld [tilespmem:s0+$0x6530];
	s0 =	simm.s32 $0xDB00  }
0x115: {  	v8 =	vld [tilespmem:s0+$0xFFFFFE30]  }
0x116: {  	v9 =	vld [tilespmem:s0+$0xFFFFFE70]  }
0x117: {  	v10 =	vld [tilespmem:s0+$0xFFFFFEB0]  }
0x118: {  	v11 =	vld [tilespmem:s0+$0xFFFFFEF0]  }
0x119: {  	v12 =	vld [tilespmem:s0+$0xFFFFFF30]  }
0x11a: {  	v13 =	vld [tilespmem:s0+$0xFFFFFF70]  }
0x11b: {  	v14 =	vld [tilespmem:s0+$0xFFFFFFB0]  }
0x11c: {  	v15 =	vld [tilespmem:s0+$0xFFFFFFF0]  }
0x11d: {  	v16 =	vld [tilespmem:s0+$0x30]  }
0x11e: {  	v17 =	vld [tilespmem:s0+$0x70]  }
0x11f: {  	v18 =	vld [tilespmem:s0+$0xB0]  }
0x120: {  	v19 =	vld [tilespmem:s0+$0xF0]  }
0x121: {  	v20 =	vld [tilespmem:s0+$0x130]  }
0x122: {  	v21 =	vld [tilespmem:s0+$0x170]  }
0x123: {  	v22 =	vld [tilespmem:s0+$0xFFFFFE20]  }
0x124: {  	v23 =	vld [tilespmem:s0+$0xFFFFFE60]  }
0x125: {  	v24 =	vld [tilespmem:s0+$0xFFFFFE00]  }
0x126: {  	v25 =	vld [tilespmem:s0+$0xFFFFFE10]  }
0x127: {  	v26 =	vld [tilespmem:s0+$0xFFFFFE40]  }
0x128: {  	v27 =	vld [tilespmem:s0+$0xFFFFFE50];
	v8 =	vmul.f32 v8, v4  }
0x129: {  	v46 =	vld [tilespmem:s0+$0xFFFFFF20];
	v28 =	vmul.f32 v9, v4;
	v29 =	vmul.f32 v10, v4  }
0x12a: {  	v47 =	vld [tilespmem:s0+$0xFFFFFEC0];
	v30 =	vmul.f32 v11, v4;
	v31 =	vmul.f32 v12, v4  }
0x12b: {  	v48 =	vld [tilespmem:s0+$0xFFFFFED0];
	v13 =	vmul.f32 v13, v4;
	v14 =	vmul.f32 v14, v4  }
0x12c: {  	v49 =	vld [tilespmem:s0+$0xFFFFFFA0];
	v15 =	vmul.f32 v15, v4;
	v16 =	vmul.f32 v16, v4  }
0x12d: {  	v51 =	vld [tilespmem:s0+$0xFFFFFF80];
	v9 =	vmul.f32 v24, v6;
	v11 =	vmul.f32 v25, v7  }
0x12e: {  	v10 =	vld [tilespmem:s0+$0xFFFFFEA0];
	v12 =	vmul.f32 v26, v6;
	v25 =	vmul.f32 v27, v7  }
0x12f: {  	v26 =	vld [tilespmem:s0+$0xFFFFFE80];
	v22 =	vmul.f32 v22, v5;
	v17 =	vmul.f32 v17, v4  }
0x130: {  	v27 =	vld [tilespmem:s0+$0xFFFFFE90];
	v23 =	vmul.f32 v23, v5;
	v34 =	vmul.f32 v47, v6  }
0x131: {  	v24 =	vld [tilespmem:s0+$0xFFFFFF60];
	v35 =	vmul.f32 v48, v7;
	v32 =	vmul.f32 v49, v5;
	v9 =	vadd.f32 v11, v9  }
0x132: {  	v45 =	vld [tilespmem:s0+$0xFFFFFEE0];
	v33 =	vmul.f32 v51, v6;
	v25 =	vadd.f32 v25, v12;
	v12 =	vmul.f32 v18, v4  }
0x133: {  	v52 =	vld [tilespmem:s0+$0xFFFFFF90];
	v11 =	vmul.f32 v19, v4;
	v18 =	vadd.f32 v22, v9;
	v9 =	vmul.f32 v20, v4  }
0x134: {  	v19 =	vadd.f32 v23, v25;
	v22 =	vld [tilespmem:s0+$0xFFFFFF00];
	v25 =	vmul.f32 v46, v5;
	v20 =	vmul.f32 v10, v5  }
0x135: {  	v23 =	vld [tilespmem:s0+$0xFFFFFF10];
	v26 =	vmul.f32 v26, v6;
	v27 =	vmul.f32 v27, v7  }
0x136: {  	v10 =	vmul.f32 v21, v4;
	v21 =	vld [tilespmem:s0+$0xFFFFFF40];
	v24 =	vmul.f32 v24, v5;
	v8 =	vadd.f32 v8, v18  }
0x137: {  	v18 =	vadd.f32 v28, v19;
	v19 =	vmul.f32 v45, v5;
	v28 =	vld [tilespmem:s0+$0xFFFFFF50];
	v26 =	vadd.f32 v27, v26  }
0x138: {  	v38 =	vld [tilespmem:s0+$0x20];
	v27 =	vadd.f32 v35, v34;
	v34 =	vmul.f32 v52, v7;
	v50 =	vperm.xlane v8, v0  }
0x139: {  	v37 =	vld [tilespmem:s0+$0xFFFFFFE0];
	v36 =	vperm.xlane v18, v0;
	v22 =	vmul.f32 v22, v6  }
0x13a: {  	v39 =	vld [tilespmem:s0+$0x60];
	v23 =	vmul.f32 v23, v7;
	v20 =	vadd.f32 v20, v26;
	v19 =	vadd.f32 v19, v27  }
0x13b: {  	v26 =	vld [tilespmem:s0+$0xFFFFFFD0];
	v33 =	vadd.f32 v34, v33;
	v8 =	vadd.f32 v50, v8;
	v21 =	vmul.f32 v21, v6  }
0x13c: {  	v18 =	vadd.f32 v36, v18;
	v28 =	vmul.f32 v28, v7;
	v22 =	vadd.f32 v23, v22;
	v23 =	vld [tilespmem:s0+$0xFFFFFFC0]  }
0x13d: {  	v27 =	vmul.f32 v38, v5;
	v20 =	vadd.f32 v29, v20;
	v19 =	vadd.f32 v30, v19;
	v29 =	vld [tilespmem:s0+$0x10]  }
0x13e: {  	v55 =	vld [tilespmem:s0+$0xA0];
	v21 =	vadd.f32 v28, v21;
	v28 =	vmul.f32 v37, v5;
	v22 =	vadd.f32 v25, v22  }
0x13f: {  	v30 =	vld [tilespmem:s0+$0x40];
	v18 =	vsel vm0, v8, v18;
	v53 =	vperm.xlane v20, v0;
	v54 =	vperm.xlane v19, v0  }
0x140: {  	v25 =	vmul.f32 v39, v5;
	v21 =	vadd.f32 v24, v21;
	v24 =	vld [tilespmem:s0+$0x0];
	v22 =	vadd.f32 v31, v22  }
0x141: {  	v31 =	vld [tilespmem:s0+$0x50];
	v35 =	vadd.f32 v53, v20;
	v19 =	vadd.f32 v54, v19;
	v20 =	vmul.f32 v23, v6  }
0x142: {  	v60 =	vld [tilespmem:s0+$0xD0];
	v23 =	vmul.f32 v26, v7;
	v26 =	vmul.f32 v29, v7;
	v21 =	vadd.f32 v13, v21  }
0x143: {  	v40 =	vld [tilespmem:s0+$0xE0];
	v8 =	vmov s30;
	v13 =	vperm.xlane v18, v1;
	v56 =	vperm.xlane v22, v0  }
0x144: {  	v41 =	vld [tilespmem:s0+$0x120];
	v19 =	vsel vm0, v35, v19;
	v23 =	vadd.f32 v23, v20;
	v57 =	vperm.xlane v21, v0  }
0x145: {  	v59 =	vld [tilespmem:s0+$0x90];
	v13 =	vadd.f32 v13, v18;
	v29 =	vadd.f32 v56, v22;
	v24 =	vmul.f32 v24, v6  }
0x146: {  	v18 =	vld [tilespmem:s0+$0x160];
	v22 =	vmul.f32 v30, v6;
	v30 =	vmul.f32 v31, v7;
	v23 =	vadd.f32 v28, v23  }
0x147: {  	v35 =	vmul.f32 v60, v7;
	v31 =	vld [tilespmem:s0+$0x80];
	v58 =	vadd.f32 v57, v21;
	v24 =	vadd.f32 v26, v24  }
0x148: {  	v20 =	vmul.f32 v55, v5;
	v22 =	vadd.f32 v30, v22;
	v30 =	vld [tilespmem:s0+$0xC0];
	v26 =	vadd.f32 v32, v33  }
0x149: {  	v21 =	vmul.f32 v40, v5;
	v61 =	vadd.f32 v15, v23;
	v23 =	vld [tilespmem:s0+$0x110];
	v24 =	vadd.f32 v27, v24  }
0x14a: {  	v15 =	vsel vm0, v29, v58;
	v29 =	vld [tilespmem:s0+$0x190];
	v25 =	vadd.f32 v25, v22;
	v33 =	vadd.f32 v14, v26  }
0x14b: {  	v22 =	vld [tilespmem:s0+$0x100];
	v27 =	vperm.xlane v19, v1;
	v63 =	vperm.xlane v61, v0;
	v62 =	vadd.f32 v16, v24  }
0x14c: {  	v26 =	vld [tilespmem:s0+$0x180];
	v28 =	vadd.f32 v17, v25;
	v16 =	vperm.xlane v15, v1;
	v17 =	vperm.xlane v33, v0  }
0x14d: {  	v24 =	vld [tilespmem:s0+$0x140];
	v14 =	vadd.f32 v27, v19;
	v27 =	vmul.f32 v31, v6;
	v31 =	vmul.f32 v59, v7  }
0x14e: {  	v25 =	vld [tilespmem:s0+$0x150];
	v19 =	vperm.xlane v62, v0;
	v32 =	vperm.xlane v28, v0;
	v15 =	vadd.f32 v16, v15  }
0x14f: {  	v16 =	vadd.f32 v17, v33;
	v33 =	vmul.f32 v30, v6;
	v30 =	vld [tilespmem:s0+$0x1C0];
	v17 =	vadd.f32 v63, v61  }
0x150: {  	s31 =	simm.s32 $0x0;
	s1 =	simm.s32 $0x40;
	v34 =	vadd.f32 v31, v27;
	v27 =	vmul.f32 v41, v5;
	v31 =	vld [tilespmem:s0+$0x1D0];
	v19 =	vadd.f32 v19, v62  }
.LBB2_7:
0x151: {  	p0 =	sne.s32 s1, $0x300;
	v33 =	vadd.f32 v35, v33;
	v18 =	vmul.f32 v18, v5;
	v35 =	vld [tilespmem:s0+$0x1A0];
	v28 =	vadd.f32 v32, v28  }
0x152: {  	v22 =	vmul.f32 v22, v6;
	v23 =	vmul.f32 v23, v7;
	v20 =	vadd.f32 v20, v34;
	v32 =	vld [tilespmem:s0+$0x1E0]  }
0x153: {  	v24 =	vmul.f32 v24, v6;
	v25 =	vmul.f32 v25, v7;
	v21 =	vadd.f32 v21, v33;
	v33 =	vld [tilespmem:s0+$0x1B0]  }
0x154: {  	v12 =	vadd.f32 v12, v20;
	v20 =	vmul.f32 v26, v6;
	v26 =	vmul.f32 v29, v7;
	v29 =	vld [tilespmem:s0+$0x1F0]  }
0x155: {  	v11 =	vadd.f32 v11, v21;
	v21 =	vmul.f32 v30, v6;
	v30 =	vmul.f32 v31, v7  }
0x156: {  	v22 =	vadd.f32 v23, v22;
	v23 =	vadd.f32 v25, v24;
	v24 =	vmul.f32 v35, v5  }
0x157: {  	v20 =	vadd.f32 v26, v20;
	v21 =	vadd.f32 v30, v21;
	v25 =	vmul.f32 v32, v5  }
0x158: {  	v22 =	vadd.f32 v27, v22;
	v18 =	vadd.f32 v18, v23;
	v23 =	vmul.f32 v33, v4  }
0x159: {  	v20 =	vadd.f32 v24, v20;
	v21 =	vadd.f32 v25, v21;
	v24 =	vmul.f32 v29, v4  }
0x15a: {  	v9 =	vadd.f32 v9, v22;
	v10 =	vadd.f32 v10, v18;
	v18 =	vperm.xlane v12, v0  }
0x15b: {  	v22 =	vperm.xlane v11, v0;
	v20 =	vadd.f32 v23, v20;
	v21 =	vadd.f32 v24, v21  }
0x15c: {  	v12 =	vadd.f32 v18, v12;
	v18 =	vperm.xlane v9, v0;
	v23 =	vperm.xlane v10, v0  }
0x15d: {  	v11 =	vadd.f32 v22, v11;
	v22 =	vperm.xlane v20, v0;
	v24 =	vperm.xlane v21, v0  }
0x15e: {  	v16 =	vsel vm0, v16, v17;
	v9 =	vadd.f32 v18, v9;
	v10 =	vadd.f32 v23, v10  }
0x15f: {  	v19 =	vsel vm0, v19, v28;
	v17 =	vadd.f32 v22, v20;
	v18 =	vadd.f32 v24, v21  }
0x160: {  	v11 =	vsel vm0, v12, v11;
	v12 =	vperm.xlane v16, v1;
	v20 =	vperm.xlane v19, v1  }
0x161: {  	v9 =	vsel vm0, v9, v10;
	v10 =	vsel vm0, v17, v18;
	v17 =	vperm.xlane v11, v1  }
0x162: {  	v12 =	vadd.f32 v12, v16;
	v16 =	vperm.xlane v9, v1;
	v18 =	vperm.xlane v10, v1  }
0x163: {  	v19 =	vadd.f32 v20, v19;
	v11 =	vadd.f32 v17, v11  }
0x164: {  	v13 =	vsel vm1, v13, v14;
	v9 =	vadd.f32 v16, v9;
	v10 =	vadd.f32 v18, v10  }
0x165: {  	v14 =	vperm.xlane v13, v2;
	v12 =	vsel vm1, v15, v12  }
0x166: {  	v11 =	vsel vm1, v19, v11;
	v9 =	vsel vm1, v9, v10;
	v10 =	vperm.xlane v12, v2  }
0x167: {  	v15 =	vperm.xlane v11, v2;
	v16 =	vperm.xlane v9, v2  }
0x168: {  	v13 =	vadd.f32 v14, v13;
	v10 =	vadd.f32 v10, v12  }
0x169: {  	v11 =	vadd.f32 v15, v11;
	v9 =	vadd.f32 v16, v9;
	_ =	sdelay $0x1  }
0x16a: {  	v10 =	vsel vm2, v13, v10;
	v9 =	vsel vm2, v11, v9  }
0x16b: {  	v11 =	vperm.xlane v10, v3;
	v12 =	vperm.xlane v9, v3;
	_ =	sdelay $0x1  }
0x16c: {  	v10 =	vadd.f32 v11, v10;
	v9 =	vadd.f32 v12, v9;
	_ =	sdelay $0x1  }
0x16d: {  	s13 =	sshra.s32 s31, $0x2;
	s31 =	smov.u32 s1;
	v9 =	vsel vm3, v10, v9  }
0x16e: {  	s0 =	sadd.s32 $0x400, s0;
	[tilespmem:v8+s13+$0x0 ss:$0x1] =	vst.idx.msk $0xffff, v9  }
0x16f: {  	v9 =	vld [tilespmem:s0+$0xFFFFFE30]  }
0x170: {  	v10 =	vld [tilespmem:s0+$0xFFFFFE70]  }
0x171: {  	v11 =	vld [tilespmem:s0+$0xFFFFFEB0]  }
0x172: {  	v12 =	vld [tilespmem:s0+$0xFFFFFEF0]  }
0x173: {  	v13 =	vld [tilespmem:s0+$0xFFFFFF30]  }
0x174: {  	v14 =	vld [tilespmem:s0+$0xFFFFFF70]  }
0x175: {  	v15 =	vld [tilespmem:s0+$0xFFFFFFB0]  }
0x176: {  	v16 =	vld [tilespmem:s0+$0xFFFFFFF0]  }
0x177: {  	v17 =	vld [tilespmem:s0+$0x30]  }
0x178: {  	v18 =	vld [tilespmem:s0+$0x70]  }
0x179: {  	v19 =	vld [tilespmem:s0+$0xB0]  }
0x17a: {  	v20 =	vld [tilespmem:s0+$0xF0]  }
0x17b: {  	v21 =	vld [tilespmem:s0+$0x130]  }
0x17c: {  	v22 =	vld [tilespmem:s0+$0x170]  }
0x17d: {  	v23 =	vld [tilespmem:s0+$0xFFFFFE20]  }
0x17e: {  	v24 =	vld [tilespmem:s0+$0xFFFFFE60]  }
0x17f: {  	v25 =	vld [tilespmem:s0+$0xFFFFFE00]  }
0x180: {  	v26 =	vld [tilespmem:s0+$0xFFFFFE10]  }
0x181: {  	v27 =	vmul.f32 v9, v4;
	v9 =	vld [tilespmem:s0+$0xFFFFFE40]  }
0x182: {  	v29 =	vmul.f32 v10, v4;
	v30 =	vmul.f32 v11, v4;
	v28 =	vld [tilespmem:s0+$0xFFFFFE50]  }
0x183: {  	v31 =	vmul.f32 v12, v4;
	v13 =	vmul.f32 v13, v4;
	v10 =	vld [tilespmem:s0+$0xFFFFFEA0]  }
0x184: {  	v33 =	vmul.f32 v14, v4;
	v15 =	vmul.f32 v15, v4;
	v32 =	vld [tilespmem:s0+$0xFFFFFEE0]  }
0x185: {  	v16 =	vmul.f32 v16, v4;
	v14 =	vmul.f32 v17, v4;
	v34 =	vld [tilespmem:s0+$0xFFFFFF20]  }
0x186: {  	v11 =	vmul.f32 v25, v6;
	v12 =	vmul.f32 v26, v7;
	v25 =	vld [tilespmem:s0+$0xFFFFFF60]  }
0x187: {  	v9 =	vmul.f32 v9, v6;
	v26 =	vmul.f32 v28, v7;
	v28 =	vld [tilespmem:s0+$0xFFFFFE80]  }
0x188: {  	v17 =	vmul.f32 v18, v4;
	v23 =	vmul.f32 v23, v5;
	v35 =	vld [tilespmem:s0+$0xFFFFFE90]  }
0x189: {  	v24 =	vmul.f32 v24, v5;
	v18 =	vadd.f32 v12, v11;
	v9 =	vadd.f32 v26, v9;
	v26 =	vld [tilespmem:s0+$0xFFFFFEC0]  }
0x18a: {  	v12 =	vmul.f32 v19, v4;
	v11 =	vmul.f32 v20, v4;
	v36 =	vld [tilespmem:s0+$0xFFFFFED0]  }
0x18b: {  	v18 =	vadd.f32 v23, v18;
	v19 =	vadd.f32 v24, v9;
	v20 =	vld [tilespmem:s0+$0xFFFFFF00];
	v9 =	vmul.f32 v21, v4  }
0x18c: {  	v21 =	vmul.f32 v10, v5;
	v10 =	vmul.f32 v22, v4;
	v23 =	vld [tilespmem:s0+$0xFFFFFF10]  }
0x18d: {  	v18 =	vadd.f32 v27, v18;
	v22 =	vmul.f32 v32, v5;
	v19 =	vadd.f32 v29, v19;
	v24 =	vld [tilespmem:s0+$0xFFFFFF40]  }
0x18e: {  	v27 =	vmul.f32 v34, v5;
	v25 =	vmul.f32 v25, v5;
	v29 =	vld [tilespmem:s0+$0xFFFFFF50]  }
0x18f: {  	v34 =	vperm.xlane v18, v0;
	v32 =	vld [tilespmem:s0+$0xFFFFFFA0];
	v37 =	vperm.xlane v19, v0  }
0x190: {  	v28 =	vmul.f32 v28, v6;
	v35 =	vmul.f32 v35, v7;
	v38 =	vld [tilespmem:s0+$0xFFFFFFE0]  }
0x191: {  	v26 =	vmul.f32 v26, v6;
	v36 =	vmul.f32 v36, v7;
	v39 =	vld [tilespmem:s0+$0x20]  }
0x192: {  	v18 =	vadd.f32 v34, v18;
	v20 =	vmul.f32 v20, v6;
	v23 =	vmul.f32 v23, v7;
	v40 =	vld [tilespmem:s0+$0x60]  }
0x193: {  	v19 =	vadd.f32 v37, v19;
	v24 =	vmul.f32 v24, v6;
	v29 =	vmul.f32 v29, v7;
	v34 =	vld [tilespmem:s0+$0xFFFFFF80]  }
0x194: {  	v28 =	vadd.f32 v35, v28;
	v26 =	vadd.f32 v36, v26;
	v35 =	vld [tilespmem:s0+$0xFFFFFF90];
	v32 =	vmul.f32 v32, v5  }
0x195: {  	v20 =	vadd.f32 v23, v20;
	v23 =	vadd.f32 v29, v24;
	v24 =	vld [tilespmem:s0+$0xFFFFFFC0];
	v29 =	vmul.f32 v38, v5  }
0x196: {  	v21 =	vadd.f32 v21, v28;
	v22 =	vadd.f32 v22, v26;
	v26 =	vld [tilespmem:s0+$0xFFFFFFD0];
	v28 =	vmul.f32 v39, v5  }
0x197: {  	v20 =	vadd.f32 v27, v20;
	v23 =	vadd.f32 v25, v23;
	v25 =	vld [tilespmem:s0+$0x0];
	v27 =	vmul.f32 v40, v5  }
0x198: {  	v21 =	vadd.f32 v30, v21;
	v18 =	vsel vm0, v18, v19;
	v22 =	vadd.f32 v31, v22;
	v30 =	vld [tilespmem:s0+$0x10]  }
0x199: {  	v19 =	vadd.f32 v13, v20;
	v13 =	vperm.xlane v18, v1;
	v20 =	vadd.f32 v33, v23;
	v23 =	vld [tilespmem:s0+$0x40]  }
0x19a: {  	v36 =	vperm.xlane v22, v0;
	v33 =	vperm.xlane v21, v0;
	v31 =	vld [tilespmem:s0+$0x50]  }
0x19b: {  	v38 =	vperm.xlane v19, v0;
	v13 =	vadd.f32 v13, v18;
	v37 =	vld [tilespmem:s0+$0xA0];
	v39 =	vperm.xlane v20, v0  }
0x19c: {  	v34 =	vmul.f32 v34, v6;
	v35 =	vmul.f32 v35, v7;
	v33 =	vadd.f32 v33, v21;
	v40 =	vld [tilespmem:s0+$0xE0]  }
0x19d: {  	v22 =	vadd.f32 v36, v22;
	v21 =	vmul.f32 v24, v6;
	v24 =	vmul.f32 v26, v7;
	v41 =	vld [tilespmem:s0+$0x120]  }
0x19e: {  	v19 =	vadd.f32 v38, v19;
	v25 =	vmul.f32 v25, v6;
	v26 =	vmul.f32 v30, v7;
	v18 =	vld [tilespmem:s0+$0x160]  }
0x19f: {  	v36 =	vadd.f32 v39, v20;
	v23 =	vmul.f32 v23, v6;
	v30 =	vmul.f32 v31, v7;
	v31 =	vld [tilespmem:s0+$0x80]  }
0x1a0: {  	v34 =	vadd.f32 v35, v34;
	v24 =	vadd.f32 v24, v21;
	v35 =	vld [tilespmem:s0+$0x90];
	v20 =	vmul.f32 v37, v5  }
0x1a1: {  	v25 =	vadd.f32 v26, v25;
	v23 =	vadd.f32 v30, v23;
	v30 =	vld [tilespmem:s0+$0xC0];
	v21 =	vmul.f32 v40, v5  }
0x1a2: {  	v26 =	vadd.f32 v32, v34;
	v24 =	vadd.f32 v29, v24;
	v29 =	vsel vm0, v33, v22;
	v34 =	vld [tilespmem:s0+$0xD0]  }
0x1a3: {  	v32 =	vperm.xlane v29, v1;
	v25 =	vadd.f32 v28, v25;
	v27 =	vadd.f32 v27, v23;
	v22 =	vld [tilespmem:s0+$0x100]  }
0x1a4: {  	v33 =	vadd.f32 v15, v26;
	v37 =	vadd.f32 v16, v24;
	v15 =	vsel vm0, v19, v36;
	v23 =	vld [tilespmem:s0+$0x110]  }
0x1a5: {  	v16 =	vperm.xlane v15, v1;
	v19 =	vadd.f32 v14, v25;
	v28 =	vadd.f32 v17, v27;
	v24 =	vld [tilespmem:s0+$0x140]  }
.Ltmp2:
0x1a6: {  	v14 =	vadd.f32 v32, v29;
	v17 =	vperm.xlane v33, v0;
	v27 =	vperm.xlane v37, v0;
	v25 =	vld [tilespmem:s0+$0x150];
	(pc) =	sbr.rel @p0 .LBB2_7-.Ltmp2, $4  }
0x1a7: {  	v15 =	vadd.f32 v16, v15;
	v36 =	vperm.xlane v19, v0;
	v26 =	vld [tilespmem:s0+$0x180];
	v32 =	vperm.xlane v28, v0  }
0x1a8: {  	v31 =	vmul.f32 v31, v6;
	v38 =	vmul.f32 v35, v7;
	v16 =	vadd.f32 v17, v33;
	v29 =	vld [tilespmem:s0+$0x190]  }
0x1a9: {  	v33 =	vmul.f32 v30, v6;
	v35 =	vmul.f32 v34, v7;
	v17 =	vadd.f32 v27, v37;
	v30 =	vld [tilespmem:s0+$0x1C0]  }
0x1aa: {  	s1 =	sadd.s32 $0x40, s1;
	v34 =	vadd.f32 v38, v31;
	v27 =	vmul.f32 v41, v5;
	v19 =	vadd.f32 v36, v19;
	v31 =	vld [tilespmem:s0+$0x1D0]  }
0x1ab: {  	v33 =	vadd.f32 v35, v33;
	v61 =	vld [tilespmem:s0+$0x1A0];
	v22 =	vmul.f32 v22, v6;
	v23 =	vmul.f32 v23, v7  }
0x1ac: {  	v28 =	vadd.f32 v32, v28;
	v62 =	vld [tilespmem:s0+$0x1E0];
	v24 =	vmul.f32 v24, v6;
	v25 =	vmul.f32 v25, v7  }
0x1ad: {  	v63 =	vld [tilespmem:s0+$0x1B0];
	v20 =	vadd.f32 v20, v34;
	v34 =	vmul.f32 v26, v6;
	v21 =	vadd.f32 v21, v33  }
0x1ae: {  	v37 =	vld [tilespmem:s0+$0x1F0];
	v36 =	vmul.f32 v29, v7;
	v40 =	vadd.f32 v23, v22;
	v41 =	vadd.f32 v25, v24  }
0x1af: {  	v12 =	vadd.f32 v12, v20;
	v38 =	vmul.f32 v30, v6;
	v39 =	vmul.f32 v31, v7  }
0x1b0: {  	v18 =	vmul.f32 v18, v5;
	v20 =	vadd.f32 v36, v34;
	v43 =	vadd.f32 v27, v40  }
0x1b1: {  	v42 =	vmul.f32 v61, v5;
	v5 =	vmul.f32 v62, v5;
	v6 =	vadd.f32 v39, v38  }
0x1b2: {  	v18 =	vadd.f32 v18, v41;
	v44 =	vmul.f32 v63, v4;
	v45 =	vadd.f32 v9, v43  }
0x1b3: {  	v4 =	vmul.f32 v37, v4;
	v20 =	vadd.f32 v42, v20;
	v5 =	vadd.f32 v5, v6  }
0x1b4: {  	v11 =	vadd.f32 v11, v21;
	v47 =	vperm.xlane v12, v0;
	v46 =	vadd.f32 v10, v18  }
0x1b5: {  	v49 =	vperm.xlane v45, v0;
	v48 =	vadd.f32 v44, v20;
	v4 =	vadd.f32 v4, v5  }
0x1b6: {  	v9 =	vadd.f32 v47, v12;
	v18 =	vperm.xlane v46, v0;
	v5 =	vperm.xlane v11, v0  }
0x1b7: {  	v6 =	vadd.f32 v49, v45;
	v50 =	vperm.xlane v48, v0;
	v51 =	vperm.xlane v4, v0  }
0x1b8: {  	v52 =	vsel vm0, v16, v17;
	v7 =	vadd.f32 v18, v46;
	v5 =	vadd.f32 v5, v11  }
0x1b9: {  	v53 =	vsel vm0, v19, v28;
	v10 =	vadd.f32 v50, v48;
	v4 =	vadd.f32 v51, v4  }
0x1ba: {  	v54 =	vperm.xlane v52, v1;
	v55 =	vperm.xlane v53, v1;
	v6 =	vsel vm0, v6, v7  }
0x1bb: {  	v57 =	vperm.xlane v6, v1;
	v5 =	vsel vm0, v9, v5;
	v4 =	vsel vm0, v10, v4  }
0x1bc: {  	v11 =	vadd.f32 v55, v53;
	v56 =	vperm.xlane v5, v1;
	v58 =	vperm.xlane v4, v1  }
0x1bd: {  	v9 =	vadd.f32 v54, v52;
	v6 =	vadd.f32 v57, v6  }
0x1be: {  	v59 =	vsel vm1, v13, v14;
	v5 =	vadd.f32 v56, v5;
	v4 =	vadd.f32 v58, v4  }
0x1bf: {  	v60 =	vperm.xlane v59, v2;
	v9 =	vsel vm1, v15, v9  }
0x1c0: {  	v61 =	vperm.xlane v9, v2;
	v5 =	vsel vm1, v11, v5;
	v4 =	vsel vm1, v6, v4  }
0x1c1: {  	v11 =	vperm.xlane v5, v2;
	v62 =	vperm.xlane v4, v2  }
0x1c2: {  	v7 =	vadd.f32 v60, v59;
	v6 =	vadd.f32 v61, v9  }
0x1c3: {  	v5 =	vadd.f32 v11, v5;
	v4 =	vadd.f32 v62, v4;
	_ =	sdelay $0x1  }
0x1c4: {  	s28 =	sadd.s32 $0x1, s28;
	v6 =	vsel vm2, v7, v6;
	v4 =	vsel vm2, v5, v4  }
0x1c5: {  	p0 =	sne.s32 s28, $0x40;
	v5 =	vperm.xlane v6, v3;
	v63 =	vperm.xlane v4, v3  }
.Ltmp3:
0x1c6: {  	_ = 	snop;
	(pc) =	sbr.rel @p0 .LBB2_4-.Ltmp3, $3  }
0x1c7: {  	v5 =	vadd.f32 v5, v6;
	v4 =	vadd.f32 v63, v4;
	_ =	sdelay $0x1  }
0x1c8: {  	s31 =	sshra.s32 s31, $0x2;
	v4 =	vsel vm3, v5, v4  }
0x1c9: {  	s29 =	sadd.s32 $0x1A0, s29;
	s30 =	sadd.s32 $0x1A0, s30;
	[tilespmem:v8+s31+$0x0 ss:$0x1] =	vst.idx.msk $0xffff, v4  }
0x1ca: {  	s0 =	simm.s32 $0x10D00  }
0x1cb: {  	s1 =	simm.s32 $0x19;
	s28 =	sadd.s32 $0x0, s8;
	s13 =	simm.s32 $0x10DD0  }
.LBB2_10:
0x1cc: {  	[hbm4b:s28+s2] =	stream.linear.scatter [tilespmem:s0], [sflag:$0x6], $0xC8, $0x38;
	[tilespmem:$0x17500] =	vst v63  }
0x1cd: {  	s15 =	smov.u32 s1;
	s0 =	smov.u32 s13;
	p0 =	sne.s32 s1, $0xC67  }
.Ltmp4:
0x1ce: {  	s1 =	sadd.s32 $0x19, s1;
	(pc) =	sbr.rel @p0 .LBB2_10-.Ltmp4, $2  }
0x1cf: {  	_ =	sdelay $0x2  }
0x1d0: {  	s13 =	sadd.s32 $0xD0, s13;
	s28 =	sadd.s32 s15, s8  }
0x1d1: {  	s26 =	sadd.s32 $0x1, s26  }
0x1d2: {  	p0 =	sne.s32 s26, s9  }
.Ltmp5:
0x1d3: {  	_ = 	snop;
	(pc) =	sbr.rel @p0 .LBB2_1-.Ltmp5, $4  }
0x1d4: {  	[hbm4b:s28+s2] =	stream.linear.scatter [tilespmem:s0], [sflag:$0x6], $0xC8, $0x38;
	[tilespmem:$0x17500] =	vst v63  }
0x1d5: {  	_ =	swait.ge [sflag:s10], $0x6400  }
0x1d6: {  	[sflag:s10] =	ssyncset.done $0x0  }
0x1d7: {  	[sflag:s10] =	ssyncadd.s32 $0xFFFF9C00  }
0x1d8: {  	_ =	sfence.sel $0x180000  }
0x1d9: {  	[bflag:$0x0] =	sbarrier.arrive $0xFFFF  }
0x1da: {  	_ =	strace $0x90000047  }
0x1db: {  	s0 =	stileid.u32;
	[bflag:$0x2] =	sbarrier.arrive $0xFFFF  }
0x1dc: {  	p0 =	sne.s32 s0, $0x0;
	s0 =	rddreg [dreg:$0x4]  }
0x1dd: {  	s0 =	sadd.s32 @!p0 $0x100000, s0  }
0x1de: {  	[sflag:s0] =	ssyncadd.tile.s32 @!p0 $0x1;
	_ =	shalt  }
.Lfunc_end2:
_tile_overlayer_lowered:
.L_overlay_start_2:
0x1df: {  	(tag) =	ssettag $0x2  }
0x1e0: {  	s0 =	rddreg [dreg:$0x0];
	s2 =	stileid.u32  }
0x1e1: {  	s1 =	rddreg [dreg:$0x1];
	p0 =	sne.s32 s2, $0x0  }
0x1e2: {  	s3 =	rddreg [dreg:$0x2];
	[bflag:$0x3] =	sbarrier.arrive $0xFFFF;
	s2 =	simm.s32 @!p0 $0x1C06  }
0x1e3: {  	[timem:s3], [sflag:s2] =	dma.local @!p0 [hbm:s0], s1  }
0x1e4: {  	s0 =	simm.s32 @!p0 $0x6  }
0x1e5: {  	_ =	swait.ge @!p0 [sflag:s0], s1  }
0x1e6: {  	s1 =	ssub.s32 @!p0 $0x0, s1;
	[sflag:s0] =	ssyncset.done @!p0 $0x0  }
0x1e7: {  	[sflag:s0] =	ssyncadd.s32 @!p0 s1  }
0x1e8: {  	[bflag:$0x3] =	sbarrier.arrive $0xFFFF  }
0x1e9: {  	_ =	shalt  }

</sc_bundles>
